<compile_context>
chip_gen: v7x
topology: tpu7x:2x2x1
jax: 0.10.2.dev20260603
libtpu: 0.0.44.dev20260713+nightly
codegen_flags: <defaults>
</compile_context>

<pallas_src>
import functools

import jax
import jax.numpy as jnp
from jax import lax
from jax.experimental import pallas as pl
from jax.experimental.pallas import tpu as pltpu
from jax.experimental.pallas import tpu_sc as plsc

N_NODES = 10000
N_PAD = 10240
D = 128
NC = 2
NS = 16
NW = NC * NS
CHUNK = 80
N_EDGES = 320000
EDGES_PER_TILE = N_EDGES // NW
NCHUNKS = EDGES_PER_TILE // CHUNK
ROWS_PER_TILE = N_PAD // NS


def _sc_aggregate(E_src, E_dst, X):
    mesh = plsc.VectorSubcoreMesh(
        core_axis_name="c", subcore_axis_name="s", num_cores=NC, num_subcores=NS
    )

    @functools.partial(
        pl.kernel,
        mesh=mesh,
        out_type=jax.ShapeDtypeStruct((NC, N_PAD, D), jnp.float32),
        scratch_types=[
            pltpu.VMEM((EDGES_PER_TILE,), jnp.int32),
            pltpu.VMEM((NCHUNKS, CHUNK), jnp.int32),
            pltpu.VMEM((2, CHUNK, D), jnp.float32),
            pltpu.VMEM_SHARED((N_PAD, D), jnp.float32),
            pltpu.SemaphoreType.DMA,
            pltpu.SemaphoreType.DMA,
        ],
    )
    def k(es_hbm, ed_hbm, x_hbm, out_hbm, src_v, dst_v, rows_v,
          agg_s, gsem_a, gsem_b):
        rows_a = rows_v.at[0]
        rows_b = rows_v.at[1]
        c = lax.axis_index("c")
        s = lax.axis_index("s")
        wid = c * NS + s
        pltpu.sync_copy(es_hbm.at[wid], src_v)
        pltpu.sync_copy(ed_hbm.at[wid], dst_v)
        zero16 = jnp.zeros((16,), jnp.float32)

        def zstore(r, carry):
            for t in range(D // 16):
                rows_v[0, r, pl.ds(t * 16, 16)] = zero16
            return carry

        lax.fori_loop(0, CHUNK, zstore, 0)
        r0 = s * ROWS_PER_TILE

        def zcopy(t, carry):
            pltpu.sync_copy(rows_a, agg_s.at[pl.ds(r0 + t * CHUNK, CHUNK)])
            return carry

        lax.fori_loop(0, ROWS_PER_TILE // CHUNK, zcopy, 0)
        plsc.subcore_barrier()

        HALF = CHUNK // 2

        def g_issue(j, buf, sem):
            base = j * CHUNK
            pltpu.async_copy(
                x_hbm.at[src_v.at[pl.ds(base, HALF)]],
                buf.at[pl.ds(0, HALF)], sem)
            pltpu.async_copy(
                x_hbm.at[src_v.at[pl.ds(base + HALF, HALF)]],
                buf.at[pl.ds(HALF, HALF)], sem)

        def g_drain(j, buf, sem):
            pltpu.make_async_copy(
                x_hbm.at[src_v.at[pl.ds(j * CHUNK, CHUNK)]], buf, sem).wait()

        g_issue(0, rows_a, gsem_a)
        g_issue(1, rows_b, gsem_b)

        def body(i, carry):
            j = 2 * i
            g_drain(j, rows_a, gsem_a)
            pltpu.sync_copy(rows_a, agg_s.at[dst_v.at[j]], add=True)
            g_issue(j + 2, rows_a, gsem_a)
            g_drain(j + 1, rows_b, gsem_b)
            pltpu.sync_copy(rows_b, agg_s.at[dst_v.at[j + 1]], add=True)
            g_issue(j + 3, rows_b, gsem_b)
            return carry

        lax.fori_loop(0, (NCHUNKS - 3) // 2, body, 0)
        g_drain(NCHUNKS - 3, rows_a, gsem_a)
        pltpu.sync_copy(rows_a, agg_s.at[dst_v.at[NCHUNKS - 3]], add=True)
        g_issue(NCHUNKS - 1, rows_a, gsem_a)
        g_drain(NCHUNKS - 2, rows_b, gsem_b)
        pltpu.sync_copy(rows_b, agg_s.at[dst_v.at[NCHUNKS - 2]], add=True)
        g_drain(NCHUNKS - 1, rows_a, gsem_a)
        pltpu.sync_copy(rows_a, agg_s.at[dst_v.at[NCHUNKS - 1]], add=True)
        plsc.subcore_barrier()
        pltpu.sync_copy(
            agg_s.at[pl.ds(r0, ROWS_PER_TILE)],
            out_hbm.at[c, pl.ds(r0, ROWS_PER_TILE)],
        )

    return k(E_src, E_dst, X)


def _tc_finish(P, W, b2):
    BLK = 1000
    grid = (N_NODES // BLK,)

    def body(p_ref, w_ref, b_ref, o_ref):
        a = p_ref[0] + p_ref[1]
        acc = jnp.dot(a, w_ref[...], preferred_element_type=jnp.float32)
        o_ref[...] = jnp.maximum(acc + b_ref[...], 0.0)

    return pl.pallas_call(
        body,
        grid=grid,
        in_specs=[
            pl.BlockSpec((2, BLK, D), lambda i: (0, i, 0)),
            pl.BlockSpec((D, D), lambda i: (0, 0)),
            pl.BlockSpec((1, D), lambda i: (0, 0)),
        ],
        out_specs=pl.BlockSpec((BLK, D), lambda i: (i, 0)),
        out_shape=jax.ShapeDtypeStruct((N_NODES, D), jnp.float32),
    )(P, W, b2)


def kernel(V, E, X, W, b):
    E_src = E[0].reshape(NW, EDGES_PER_TILE)
    E_dst = E[1].reshape(NW, NCHUNKS, CHUNK)
    P = _sc_aggregate(E_src, E_dst, X)
    return _tc_finish(P, W, b.reshape(1, D))

# --- scband reference (transcript-rebuilt; emitter-appended) ---
"""Pipeline reference for scband-gcn-1-3246995276079 (READ-ONLY COPY).

The authoritative reference and input builder live on the scoring server;
editing this copy changes nothing except your own understanding.
"""

import jax, jax.numpy as jnp
import numpy as np

N_NODES = 10000
N_EDGES = 320000
D_IN = 128
D_OUT = 128


def setup_inputs(seed: int = 0) -> dict:
    key = jax.random.key(seed)
    k1, k2, k3 = jax.random.split(key, 3)
    V = N_NODES  # scalar python int: number of nodes
    E = jax.random.randint(k1, (2, N_EDGES), 0, N_NODES, dtype=jnp.int32)
    X = jax.random.normal(k2, (N_NODES, D_IN), dtype=jnp.float32)
    # learned params of the single GCNLayer_MPNN_1 (linear transform)
    W = jax.random.normal(k3, (D_IN, D_OUT), dtype=jnp.float32) / np.sqrt(D_IN)
    b = jnp.zeros((D_OUT,), dtype=jnp.float32)
    return {"V": V, "E": E, "X": X, "W": W, "b": b}


def reference(V, E, X, W, b):
    # GCN message-passing layer: gather source node features along edges,
    # scatter-add (sum-aggregate) into destination nodes, then linear transform.
    # GCN_1 with num_layers==1 applies relu on the single layer's output.
    src = E[0]
    dst = E[1]
    num_segments = X.shape[0]
    dst = dst + (jnp.asarray(V, dtype=dst.dtype) - jnp.asarray(V, dtype=dst.dtype))
    msgs = jnp.take(X, src, axis=0)              # gather: [n_edges, d_in]
    agg = jax.ops.segment_sum(msgs, dst, num_segments=num_segments)  # scatter-add: [V, d_in]
    out = agg @ W + b                             # linear: [V, d_out]
    return jax.nn.relu(out)

if __name__ == "__main__":
    import jax
    _d = setup_inputs()
    print(jax.jit(kernel)(*tuple(_d.values())))

</pallas_src>

<mosaic_0001>
#map = affine_map<(d0, d1) -> (0, 0)>
#map1 = affine_map<(d0, d1) -> (0, 0, 0)>
module attributes {stable_mosaic.version = 14 : i64} {
  func.func @k(%arg0: i32, %arg1: i32, %arg2: memref<32x10000xi32, #tpu.memory_space<hbm>>, %arg3: memref<32x125x80xi32, #tpu.memory_space<hbm>>, %arg4: memref<10000x128xf32, #tpu.memory_space<hbm>>, %arg5: memref<2x10240x128xf32, #tpu.memory_space<hbm>>, %arg6: memref<10000xi32, #tpu.memory_space<vmem>>, %arg7: memref<125x80xi32, #tpu.memory_space<vmem>>, %arg8: memref<2x80x128xf32, #tpu.memory_space<vmem>>, %arg9: memref<10240x128xf32, #tpu.memory_space<vmem_shared>>, %arg10: memref<!tpu.dma_semaphore, #tpu.memory_space<semaphore_mem>>, %arg11: memref<!tpu.dma_semaphore, #tpu.memory_space<semaphore_mem>>) attributes {dimension_semantics = [#tpu.dimension_semantics<core_parallel>, #tpu.dimension_semantics<subcore_parallel>], iteration_bounds = array<i64: 2, 16>, scalar_prefetch = 0 : i64, scratch_operands = 6 : i64, tpu.core_type = #tpu.core_type<sc_vector_subcore>, window_params = [{transform_indices = #map}, {transform_indices = #map1}, {transform_indices = #map}, {transform_indices = #map1}]} {
    %mul3A = arith.constant 16 : i32
    %mul3A_0 = arith.muli %arg0, %mul3A : i32
    %add3A = arith.addi %mul3A_0, %arg1 : i32
    "tpu.region"() ({
      %run_scoped3A_136 = tpu.sem_alloc : memref<!tpu.dma_semaphore, #tpu.memory_space<semaphore_mem>>
      %dma_start3A_137 = arith.constant 0 : i32
      %dma_start3A_138 = tpu.memref_slice %arg2[%add3A, %dma_start3A_137] : memref<32x10000xi32, #tpu.memory_space<hbm>> -> memref<1x10000xi32, #tpu.memory_space<hbm>>
      %dma_start3A_139 = tpu.memref_squeeze %dma_start3A_138 : memref<1x10000xi32, #tpu.memory_space<hbm>> -> memref<10000xi32, #tpu.memory_space<hbm>>
      %dma_start3A_140 = arith.constant 0 : i32
      %dma_start3A_141 = tpu.memref_slice %arg2[%add3A, %dma_start3A_140] : memref<32x10000xi32, #tpu.memory_space<hbm>> -> memref<1x10000xi32, #tpu.memory_space<hbm>>
      %dma_start3A_142 = tpu.memref_squeeze %dma_start3A_141 : memref<1x10000xi32, #tpu.memory_space<hbm>> -> memref<10000xi32, #tpu.memory_space<hbm>>
      tpu.enqueue_dma source(%dma_start3A_142 : memref<10000xi32, #tpu.memory_space<hbm>>) target(%arg6 : memref<10000xi32, #tpu.memory_space<vmem>>) target_semaphore(%run_scoped3A_136 : memref<!tpu.dma_semaphore, #tpu.memory_space<semaphore_mem>>)
      %dma_wait3A_143 = arith.constant 0 : i32
      %dma_wait3A_144 = tpu.memref_slice %arg2[%add3A, %dma_wait3A_143] : memref<32x10000xi32, #tpu.memory_space<hbm>> -> memref<1x10000xi32, #tpu.memory_space<hbm>>
      %dma_wait3A_145 = tpu.memref_squeeze %dma_wait3A_144 : memref<1x10000xi32, #tpu.memory_space<hbm>> -> memref<10000xi32, #tpu.memory_space<hbm>>
      %dma_wait3A_146 = arith.constant 0 : i32
      %dma_wait3A_147 = tpu.memref_slice %arg2[%add3A, %dma_wait3A_146] : memref<32x10000xi32, #tpu.memory_space<hbm>> -> memref<1x10000xi32, #tpu.memory_space<hbm>>
      %dma_wait3A_148 = tpu.memref_squeeze %dma_wait3A_147 : memref<1x10000xi32, #tpu.memory_space<hbm>> -> memref<10000xi32, #tpu.memory_space<hbm>>
      tpu.wait_dma2 semaphore(%run_scoped3A_136 : memref<!tpu.dma_semaphore, #tpu.memory_space<semaphore_mem>>) src(%dma_wait3A_148 : memref<10000xi32, #tpu.memory_space<hbm>>) dst(%arg6 : memref<10000xi32, #tpu.memory_space<vmem>>)
      tpu.yield
    }) : () -> ()
    "tpu.region"() ({
      %run_scoped3A_136 = tpu.sem_alloc : memref<!tpu.dma_semaphore, #tpu.memory_space<semaphore_mem>>
      %dma_start3A_137 = arith.constant 0 : i32
      %dma_start3A_138 = arith.constant 0 : i32
      %dma_start3A_139 = tpu.memref_slice %arg3[%add3A, %dma_start3A_137, %dma_start3A_138] : memref<32x125x80xi32, #tpu.memory_space<hbm>> -> memref<1x125x80xi32, #tpu.memory_space<hbm>>
      %dma_start3A_140 = tpu.memref_squeeze %dma_start3A_139 : memref<1x125x80xi32, #tpu.memory_space<hbm>> -> memref<125x80xi32, #tpu.memory_space<hbm>>
      %dma_start3A_141 = arith.constant 0 : i32
      %dma_start3A_142 = arith.constant 0 : i32
      %dma_start3A_143 = tpu.memref_slice %arg3[%add3A, %dma_start3A_141, %dma_start3A_142] : memref<32x125x80xi32, #tpu.memory_space<hbm>> -> memref<1x125x80xi32, #tpu.memory_space<hbm>>
      %dma_start3A_144 = tpu.memref_squeeze %dma_start3A_143 : memref<1x125x80xi32, #tpu.memory_space<hbm>> -> memref<125x80xi32, #tpu.memory_space<hbm>>
      tpu.enqueue_dma source(%dma_start3A_144 : memref<125x80xi32, #tpu.memory_space<hbm>>) target(%arg7 : memref<125x80xi32, #tpu.memory_space<vmem>>) target_semaphore(%run_scoped3A_136 : memref<!tpu.dma_semaphore, #tpu.memory_space<semaphore_mem>>)
      %dma_wait3A_145 = arith.constant 0 : i32
      %dma_wait3A_146 = arith.constant 0 : i32
      %dma_wait3A_147 = tpu.memref_slice %arg3[%add3A, %dma_wait3A_145, %dma_wait3A_146] : memref<32x125x80xi32, #tpu.memory_space<hbm>> -> memref<1x125x80xi32, #tpu.memory_space<hbm>>
      %dma_wait3A_148 = tpu.memref_squeeze %dma_wait3A_147 : memref<1x125x80xi32, #tpu.memory_space<hbm>> -> memref<125x80xi32, #tpu.memory_space<hbm>>
      %dma_wait3A_149 = arith.constant 0 : i32
      %dma_wait3A_150 = arith.constant 0 : i32
      %dma_wait3A_151 = tpu.memref_slice %arg3[%add3A, %dma_wait3A_149, %dma_wait3A_150] : memref<32x125x80xi32, #tpu.memory_space<hbm>> -> memref<1x125x80xi32, #tpu.memory_space<hbm>>
      %dma_wait3A_152 = tpu.memref_squeeze %dma_wait3A_151 : memref<1x125x80xi32, #tpu.memory_space<hbm>> -> memref<125x80xi32, #tpu.memory_space<hbm>>
      tpu.wait_dma2 semaphore(%run_scoped3A_136 : memref<!tpu.dma_semaphore, #tpu.memory_space<semaphore_mem>>) src(%dma_wait3A_152 : memref<125x80xi32, #tpu.memory_space<hbm>>) dst(%arg7 : memref<125x80xi32, #tpu.memory_space<vmem>>)
      tpu.yield
    }) : () -> ()
    %broadcast_in_dim3A = arith.constant 0.000000e+00 : f32
    %broadcast_in_dim3A_1 = vector.broadcast %broadcast_in_dim3A : f32 to vector<16xf32>
    %scan3A = arith.constant 0 : i32
    %scan3A_2 = arith.constant 0 : i32
    %scan3A_3 = arith.constant 80 : i32
    %scan3A_4 = arith.addi %scan3A_2, %scan3A_3 : i32
    %scan3A_5 = arith.constant 1 : i32
    scf.for %scan3A_136 = %scan3A_2 to %scan3A_4 step %scan3A_5  : i32 {
      %swap3A = arith.constant 0 : i32
      %swap3A_137 = arith.index_cast %swap3A : i32 to index
      %swap3A_138 = arith.index_cast %scan3A_136 : i32 to index
      %swap3A_139 = arith.constant 0 : index
      %swap3A_140 = tpu.vector_load %arg8[%swap3A_137, %swap3A_138, %swap3A_139] {strides = array<i32>} : memref<2x80x128xf32, #tpu.memory_space<vmem>>, vector<1x1x16xf32>,
      %swap3A_141 = vector.shape_cast %swap3A_140 : vector<1x1x16xf32> to vector<16xf32>
      %swap3A_142 = vector.shape_cast %broadcast_in_dim3A_1 : vector<16xf32> to vector<1x1x16xf32>
      tpu.vector_store %arg8[%swap3A_137, %swap3A_138, %swap3A_139], %swap3A_142 {strides = array<i32>} : memref<2x80x128xf32, #tpu.memory_space<vmem>>, vector<1x1x16xf32>,
      %swap3A_143 = arith.constant 0 : i32
      %swap3A_144 = arith.index_cast %swap3A_143 : i32 to index
      %swap3A_145 = arith.index_cast %scan3A_136 : i32 to index
      %swap3A_146 = arith.constant 16 : index
      %swap3A_147 = tpu.vector_load %arg8[%swap3A_144, %swap3A_145, %swap3A_146] {strides = array<i32>} : memref<2x80x128xf32, #tpu.memory_space<vmem>>, vector<1x1x16xf32>,
      %swap3A_148 = vector.shape_cast %swap3A_147 : vector<1x1x16xf32> to vector<16xf32>
      %swap3A_149 = vector.shape_cast %broadcast_in_dim3A_1 : vector<16xf32> to vector<1x1x16xf32>
      tpu.vector_store %arg8[%swap3A_144, %swap3A_145, %swap3A_146], %swap3A_149 {strides = array<i32>} : memref<2x80x128xf32, #tpu.memory_space<vmem>>, vector<1x1x16xf32>,
      %swap3A_150 = arith.constant 0 : i32
      %swap3A_151 = arith.index_cast %swap3A_150 : i32 to index
      %swap3A_152 = arith.index_cast %scan3A_136 : i32 to index
      %swap3A_153 = arith.constant 32 : index
      %swap3A_154 = tpu.vector_load %arg8[%swap3A_151, %swap3A_152, %swap3A_153] {strides = array<i32>} : memref<2x80x128xf32, #tpu.memory_space<vmem>>, vector<1x1x16xf32>,
      %swap3A_155 = vector.shape_cast %swap3A_154 : vector<1x1x16xf32> to vector<16xf32>
      %swap3A_156 = vector.shape_cast %broadcast_in_dim3A_1 : vector<16xf32> to vector<1x1x16xf32>
      tpu.vector_store %arg8[%swap3A_151, %swap3A_152, %swap3A_153], %swap3A_156 {strides = array<i32>} : memref<2x80x128xf32, #tpu.memory_space<vmem>>, vector<1x1x16xf32>,
      %swap3A_157 = arith.constant 0 : i32
      %swap3A_158 = arith.index_cast %swap3A_157 : i32 to index
      %swap3A_159 = arith.index_cast %scan3A_136 : i32 to index
      %swap3A_160 = arith.constant 48 : index
      %swap3A_161 = tpu.vector_load %arg8[%swap3A_158, %swap3A_159, %swap3A_160] {strides = array<i32>} : memref<2x80x128xf32, #tpu.memory_space<vmem>>, vector<1x1x16xf32>,
      %swap3A_162 = vector.shape_cast %swap3A_161 : vector<1x1x16xf32> to vector<16xf32>
      %swap3A_163 = vector.shape_cast %broadcast_in_dim3A_1 : vector<16xf32> to vector<1x1x16xf32>
      tpu.vector_store %arg8[%swap3A_158, %swap3A_159, %swap3A_160], %swap3A_163 {strides = array<i32>} : memref<2x80x128xf32, #tpu.memory_space<vmem>>, vector<1x1x16xf32>,
      %swap3A_164 = arith.constant 0 : i32
      %swap3A_165 = arith.index_cast %swap3A_164 : i32 to index
      %swap3A_166 = arith.index_cast %scan3A_136 : i32 to index
      %swap3A_167 = arith.constant 64 : index
      %swap3A_168 = tpu.vector_load %arg8[%swap3A_165, %swap3A_166, %swap3A_167] {strides = array<i32>} : memref<2x80x128xf32, #tpu.memory_space<vmem>>, vector<1x1x16xf32>,
      %swap3A_169 = vector.shape_cast %swap3A_168 : vector<1x1x16xf32> to vector<16xf32>
      %swap3A_170 = vector.shape_cast %broadcast_in_dim3A_1 : vector<16xf32> to vector<1x1x16xf32>
      tpu.vector_store %arg8[%swap3A_165, %swap3A_166, %swap3A_167], %swap3A_170 {strides = array<i32>} : memref<2x80x128xf32, #tpu.memory_space<vmem>>, vector<1x1x16xf32>,
      %swap3A_171 = arith.constant 0 : i32
      %swap3A_172 = arith.index_cast %swap3A_171 : i32 to index
      %swap3A_173 = arith.index_cast %scan3A_136 : i32 to index
      %swap3A_174 = arith.constant 80 : index
      %swap3A_175 = tpu.vector_load %arg8[%swap3A_172, %swap3A_173, %swap3A_174] {strides = array<i32>} : memref<2x80x128xf32, #tpu.memory_space<vmem>>, vector<1x1x16xf32>,
      %swap3A_176 = vector.shape_cast %swap3A_175 : vector<1x1x16xf32> to vector<16xf32>
      %swap3A_177 = vector.shape_cast %broadcast_in_dim3A_1 : vector<16xf32> to vector<1x1x16xf32>
      tpu.vector_store %arg8[%swap3A_172, %swap3A_173, %swap3A_174], %swap3A_177 {strides = array<i32>} : memref<2x80x128xf32, #tpu.memory_space<vmem>>, vector<1x1x16xf32>,
      %swap3A_178 = arith.constant 0 : i32
      %swap3A_179 = arith.index_cast %swap3A_178 : i32 to index
      %swap3A_180 = arith.index_cast %scan3A_136 : i32 to index
      %swap3A_181 = arith.constant 96 : index
      %swap3A_182 = tpu.vector_load %arg8[%swap3A_179, %swap3A_180, %swap3A_181] {strides = array<i32>} : memref<2x80x128xf32, #tpu.memory_space<vmem>>, vector<1x1x16xf32>,
      %swap3A_183 = vector.shape_cast %swap3A_182 : vector<1x1x16xf32> to vector<16xf32>
      %swap3A_184 = vector.shape_cast %broadcast_in_dim3A_1 : vector<16xf32> to vector<1x1x16xf32>
      tpu.vector_store %arg8[%swap3A_179, %swap3A_180, %swap3A_181], %swap3A_184 {strides = array<i32>} : memref<2x80x128xf32, #tpu.memory_space<vmem>>, vector<1x1x16xf32>,
      %swap3A_185 = arith.constant 0 : i32
      %swap3A_186 = arith.index_cast %swap3A_185 : i32 to index
      %swap3A_187 = arith.index_cast %scan3A_136 : i32 to index
      %swap3A_188 = arith.constant 112 : index
      %swap3A_189 = tpu.vector_load %arg8[%swap3A_186, %swap3A_187, %swap3A_188] {strides = array<i32>} : memref<2x80x128xf32, #tpu.memory_space<vmem>>, vector<1x1x16xf32>,
      %swap3A_190 = vector.shape_cast %swap3A_189 : vector<1x1x16xf32> to vector<16xf32>
      %swap3A_191 = vector.shape_cast %broadcast_in_dim3A_1 : vector<16xf32> to vector<1x1x16xf32>
      tpu.vector_store %arg8[%swap3A_186, %swap3A_187, %swap3A_188], %swap3A_191 {strides = array<i32>} : memref<2x80x128xf32, #tpu.memory_space<vmem>>, vector<1x1x16xf32>,
    }
    %scan3A_6 = arith.constant 80 : i32
    %mul3A_7 = arith.constant 640 : i32
    %mul3A_8 = arith.muli %arg1, %mul3A_7 : i32
    %scan3A_9 = arith.constant 0 : i32
    %scan3A_10 = arith.constant 0 : i32
    %scan3A_11 = arith.constant 0 : i32
    %scan3A_12 = arith.constant 8 : i32
    %scan3A_13 = arith.addi %scan3A_11, %scan3A_12 : i32
    %scan3A_14 = arith.constant 1 : i32
    scf.for %scan3A_136 = %scan3A_11 to %scan3A_13 step %scan3A_14  : i32 {
      %mul3A_137 = arith.constant 80 : i32
      %mul3A_138 = arith.muli %scan3A_136, %mul3A_137 : i32
      %add3A_139 = arith.addi %mul3A_8, %mul3A_138 : i32
      "tpu.region"() ({
        %run_scoped3A_140 = tpu.sem_alloc : memref<!tpu.dma_semaphore, #tpu.memory_space<semaphore_mem>>
        %dma_start3A_141 = arith.constant 0 : i32
        %dma_start3A_142 = arith.constant 0 : i32
        %dma_start3A_143 = tpu.memref_slice %arg8[%scan3A_10, %dma_start3A_141, %dma_start3A_142] : memref<2x80x128xf32, #tpu.memory_space<vmem>> -> memref<1x80x128xf32, #tpu.memory_space<vmem>>
        %dma_start3A_144 = tpu.memref_squeeze %dma_start3A_143 : memref<1x80x128xf32, #tpu.memory_space<vmem>> -> memref<80x128xf32, #tpu.memory_space<vmem>>
        %dma_start3A_145 = arith.constant 0 : i32
        %dma_start3A_146 = tpu.memref_slice %arg9[%add3A_139, %dma_start3A_145] : memref<10240x128xf32, #tpu.memory_space<vmem_shared>> -> memref<80x128xf32, #tpu.memory_space<vmem_shared>>
        %dma_start3A_147 = arith.constant 0 : i32
        %dma_start3A_148 = tpu.memref_slice %arg9[%add3A_139, %dma_start3A_147] : memref<10240x128xf32, #tpu.memory_space<vmem_shared>> -> memref<80x128xf32, #tpu.memory_space<vmem_shared>>
        %dma_start3A_149 = arith.constant 0 : i32
        %dma_start3A_150 = arith.constant 0 : i32
        %dma_start3A_151 = tpu.memref_slice %arg8[%scan3A_10, %dma_start3A_149, %dma_start3A_150] : memref<2x80x128xf32, #tpu.memory_space<vmem>> -> memref<1x80x128xf32, #tpu.memory_space<vmem>>
        %dma_start3A_152 = tpu.memref_squeeze %dma_start3A_151 : memref<1x80x128xf32, #tpu.memory_space<vmem>> -> memref<80x128xf32, #tpu.memory_space<vmem>>
        tpu.enqueue_dma source(%dma_start3A_152 : memref<80x128xf32, #tpu.memory_space<vmem>>) target(%dma_start3A_148 : memref<80x128xf32, #tpu.memory_space<vmem_shared>>) target_semaphore(%run_scoped3A_140 : memref<!tpu.dma_semaphore, #tpu.memory_space<semaphore_mem>>)
        %dma_wait3A_153 = arith.constant 0 : i32
        %dma_wait3A_154 = arith.constant 0 : i32
        %dma_wait3A_155 = tpu.memref_slice %arg8[%scan3A_10, %dma_wait3A_153, %dma_wait3A_154] : memref<2x80x128xf32, #tpu.memory_space<vmem>> -> memref<1x80x128xf32, #tpu.memory_space<vmem>>
        %dma_wait3A_156 = tpu.memref_squeeze %dma_wait3A_155 : memref<1x80x128xf32, #tpu.memory_space<vmem>> -> memref<80x128xf32, #tpu.memory_space<vmem>>
        %dma_wait3A_157 = arith.constant 0 : i32
        %dma_wait3A_158 = tpu.memref_slice %arg9[%add3A_139, %dma_wait3A_157] : memref<10240x128xf32, #tpu.memory_space<vmem_shared>> -> memref<80x128xf32, #tpu.memory_space<vmem_shared>>
        %dma_wait3A_159 = arith.constant 0 : i32
        %dma_wait3A_160 = tpu.memref_slice %arg9[%add3A_139, %dma_wait3A_159] : memref<10240x128xf32, #tpu.memory_space<vmem_shared>> -> memref<80x128xf32, #tpu.memory_space<vmem_shared>>
        %dma_wait3A_161 = arith.constant 0 : i32
        %dma_wait3A_162 = arith.constant 0 : i32
        %dma_wait3A_163 = tpu.memref_slice %arg8[%scan3A_10, %dma_wait3A_161, %dma_wait3A_162] : memref<2x80x128xf32, #tpu.memory_space<vmem>> -> memref<1x80x128xf32, #tpu.memory_space<vmem>>
        %dma_wait3A_164 = tpu.memref_squeeze %dma_wait3A_163 : memref<1x80x128xf32, #tpu.memory_space<vmem>> -> memref<80x128xf32, #tpu.memory_space<vmem>>
        tpu.wait_dma2 semaphore(%run_scoped3A_140 : memref<!tpu.dma_semaphore, #tpu.memory_space<semaphore_mem>>) src(%dma_wait3A_164 : memref<80x128xf32, #tpu.memory_space<vmem>>) dst(%dma_wait3A_160 : memref<80x128xf32, #tpu.memory_space<vmem_shared>>)
        tpu.yield
      }) : () -> ()
    }
    %scan3A_15 = arith.constant 8 : i32
    %barrier3A = arith.constant 0 : index
    tpu.barrier barrier_id(%barrier3A)
    %dma_start3A = arith.constant 0 : i32
    %dma_start3A_16 = arith.constant 0 : i32
    %dma_start3A_17 = arith.constant 0 : i32
    %dma_start3A_18 = tpu.memref_slice %arg8[%dma_start3A, %dma_start3A_16, %dma_start3A_17] : memref<2x80x128xf32, #tpu.memory_space<vmem>> -> memref<1x80x128xf32, #tpu.memory_space<vmem>>
    %dma_start3A_19 = tpu.memref_squeeze %dma_start3A_18 : memref<1x80x128xf32, #tpu.memory_space<vmem>> -> memref<80x128xf32, #tpu.memory_space<vmem>>
    %dma_start3A_20 = arith.constant 0 : i32
    %dma_start3A_21 = arith.constant 0 : i32
    %dma_start3A_22 = tpu.memref_slice %dma_start3A_19[%dma_start3A_20, %dma_start3A_21] : memref<80x128xf32, #tpu.memory_space<vmem>> -> memref<40x128xf32, #tpu.memory_space<vmem>>
    %dma_start3A_23 = arith.constant 0 : i32
    %dma_start3A_24 = tpu.memref_slice %arg6[%dma_start3A_23] : memref<10000xi32, #tpu.memory_space<vmem>> -> memref<40xi32, #tpu.memory_space<vmem>>
    %dma_start3A_25 = arith.constant 0 : i32
    %dma_start3A_26 = arith.constant 0 : i32
    %dma_start3A_27 = tpu.memref_slice %arg4[%dma_start3A_25, %dma_start3A_26] : memref<10000x128xf32, #tpu.memory_space<hbm>> -> memref<10000x128xf32, #tpu.memory_space<hbm>>
    tpu.enqueue_indirect_dma source(%dma_start3A_27 : memref<10000x128xf32, #tpu.memory_space<hbm>>) target(%dma_start3A_22 : memref<40x128xf32, #tpu.memory_space<vmem>>) offsets(%dma_start3A_24 : memref<40xi32, #tpu.memory_space<vmem>>) semaphore(%arg10 : memref<!tpu.dma_semaphore, #tpu.memory_space<semaphore_mem>>)
    %dma_start3A_28 = arith.constant 0 : i32
    %dma_start3A_29 = arith.constant 0 : i32
    %dma_start3A_30 = arith.constant 0 : i32
    %dma_start3A_31 = tpu.memref_slice %arg8[%dma_start3A_28, %dma_start3A_29, %dma_start3A_30] : memref<2x80x128xf32, #tpu.memory_space<vmem>> -> memref<1x80x128xf32, #tpu.memory_space<vmem>>
    %dma_start3A_32 = tpu.memref_squeeze %dma_start3A_31 : memref<1x80x128xf32, #tpu.memory_space<vmem>> -> memref<80x128xf32, #tpu.memory_space<vmem>>
    %dma_start3A_33 = arith.constant 40 : i32
    %dma_start3A_34 = arith.constant 0 : i32
    %dma_start3A_35 = tpu.memref_slice %dma_start3A_32[%dma_start3A_33, %dma_start3A_34] : memref<80x128xf32, #tpu.memory_space<vmem>> -> memref<40x128xf32, #tpu.memory_space<vmem>>
    %dma_start3A_36 = arith.constant 40 : i32
    %dma_start3A_37 = tpu.memref_slice %arg6[%dma_start3A_36] : memref<10000xi32, #tpu.memory_space<vmem>> -> memref<40xi32, #tpu.memory_space<vmem>>
    %dma_start3A_38 = arith.constant 0 : i32
    %dma_start3A_39 = arith.constant 0 : i32
    %dma_start3A_40 = tpu.memref_slice %arg4[%dma_start3A_38, %dma_start3A_39] : memref<10000x128xf32, #tpu.memory_space<hbm>> -> memref<10000x128xf32, #tpu.memory_space<hbm>>
    tpu.enqueue_indirect_dma source(%dma_start3A_40 : memref<10000x128xf32, #tpu.memory_space<hbm>>) target(%dma_start3A_35 : memref<40x128xf32, #tpu.memory_space<vmem>>) offsets(%dma_start3A_37 : memref<40xi32, #tpu.memory_space<vmem>>) semaphore(%arg10 : memref<!tpu.dma_semaphore, #tpu.memory_space<semaphore_mem>>)
    %dma_start3A_41 = arith.constant 1 : i32
    %dma_start3A_42 = arith.constant 0 : i32
    %dma_start3A_43 = arith.constant 0 : i32
    %dma_start3A_44 = tpu.memref_slice %arg8[%dma_start3A_41, %dma_start3A_42, %dma_start3A_43] : memref<2x80x128xf32, #tpu.memory_space<vmem>> -> memref<1x80x128xf32, #tpu.memory_space<vmem>>
    %dma_start3A_45 = tpu.memref_squeeze %dma_start3A_44 : memref<1x80x128xf32, #tpu.memory_space<vmem>> -> memref<80x128xf32, #tpu.memory_space<vmem>>
    %dma_start3A_46 = arith.constant 0 : i32
    %dma_start3A_47 = arith.constant 0 : i32
    %dma_start3A_48 = tpu.memref_slice %dma_start3A_45[%dma_start3A_46, %dma_start3A_47] : memref<80x128xf32, #tpu.memory_space<vmem>> -> memref<40x128xf32, #tpu.memory_space<vmem>>
    %dma_start3A_49 = arith.constant 80 : i32
    %dma_start3A_50 = tpu.memref_slice %arg6[%dma_start3A_49] : memref<10000xi32, #tpu.memory_space<vmem>> -> memref<40xi32, #tpu.memory_space<vmem>>
    %dma_start3A_51 = arith.constant 0 : i32
    %dma_start3A_52 = arith.constant 0 : i32
    %dma_start3A_53 = tpu.memref_slice %arg4[%dma_start3A_51, %dma_start3A_52] : memref<10000x128xf32, #tpu.memory_space<hbm>> -> memref<10000x128xf32, #tpu.memory_space<hbm>>
    tpu.enqueue_indirect_dma source(%dma_start3A_53 : memref<10000x128xf32, #tpu.memory_space<hbm>>) target(%dma_start3A_48 : memref<40x128xf32, #tpu.memory_space<vmem>>) offsets(%dma_start3A_50 : memref<40xi32, #tpu.memory_space<vmem>>) semaphore(%arg11 : memref<!tpu.dma_semaphore, #tpu.memory_space<semaphore_mem>>)
    %dma_start3A_54 = arith.constant 1 : i32
    %dma_start3A_55 = arith.constant 0 : i32
    %dma_start3A_56 = arith.constant 0 : i32
    %dma_start3A_57 = tpu.memref_slice %arg8[%dma_start3A_54, %dma_start3A_55, %dma_start3A_56] : memref<2x80x128xf32, #tpu.memory_space<vmem>> -> memref<1x80x128xf32, #tpu.memory_space<vmem>>
    %dma_start3A_58 = tpu.memref_squeeze %dma_start3A_57 : memref<1x80x128xf32, #tpu.memory_space<vmem>> -> memref<80x128xf32, #tpu.memory_space<vmem>>
    %dma_start3A_59 = arith.constant 40 : i32
    %dma_start3A_60 = arith.constant 0 : i32
    %dma_start3A_61 = tpu.memref_slice %dma_start3A_58[%dma_start3A_59, %dma_start3A_60] : memref<80x128xf32, #tpu.memory_space<vmem>> -> memref<40x128xf32, #tpu.memory_space<vmem>>
    %dma_start3A_62 = arith.constant 120 : i32
    %dma_start3A_63 = tpu.memref_slice %arg6[%dma_start3A_62] : memref<10000xi32, #tpu.memory_space<vmem>> -> memref<40xi32, #tpu.memory_space<vmem>>
    %dma_start3A_64 = arith.constant 0 : i32
    %dma_start3A_65 = arith.constant 0 : i32
    %dma_start3A_66 = tpu.memref_slice %arg4[%dma_start3A_64, %dma_start3A_65] : memref<10000x128xf32, #tpu.memory_space<hbm>> -> memref<10000x128xf32, #tpu.memory_space<hbm>>
    tpu.enqueue_indirect_dma source(%dma_start3A_66 : memref<10000x128xf32, #tpu.memory_space<hbm>>) target(%dma_start3A_61 : memref<40x128xf32, #tpu.memory_space<vmem>>) offsets(%dma_start3A_63 : memref<40xi32, #tpu.memory_space<vmem>>) semaphore(%arg11 : memref<!tpu.dma_semaphore, #tpu.memory_space<semaphore_mem>>)
    %scan3A_67 = arith.constant 0 : i32
    %scan3A_68 = arith.constant 0 : i32
    %scan3A_69 = arith.constant 1 : i32
    %scan3A_70 = arith.constant 0 : i32
    %scan3A_71 = arith.constant 61 : i32
    %scan3A_72 = arith.addi %scan3A_70, %scan3A_71 : i32
    %scan3A_73 = arith.constant 1 : i32
    scf.for %scan3A_136 = %scan3A_70 to %scan3A_72 step %scan3A_73  : i32 {
      %mul3A_137 = arith.constant 2 : i32
      %mul3A_138 = arith.muli %mul3A_137, %scan3A_136 : i32
      %mul3A_139 = arith.constant 80 : i32
      %mul3A_140 = arith.muli %mul3A_138, %mul3A_139 : i32
      %dma_wait3A_141 = arith.constant 0 : i32
      %dma_wait3A_142 = arith.constant 0 : i32
      %dma_wait3A_143 = tpu.memref_slice %arg8[%scan3A_68, %dma_wait3A_141, %dma_wait3A_142] : memref<2x80x128xf32, #tpu.memory_space<vmem>> -> memref<1x80x128xf32, #tpu.memory_space<vmem>>
      %dma_wait3A_144 = tpu.memref_squeeze %dma_wait3A_143 : memref<1x80x128xf32, #tpu.memory_space<vmem>> -> memref<80x128xf32, #tpu.memory_space<vmem>>
      %dma_wait3A_145 = tpu.memref_slice %arg6[%mul3A_140] : memref<10000xi32, #tpu.memory_space<vmem>> -> memref<80xi32, #tpu.memory_space<vmem>>
      %dma_wait3A_146 = arith.constant 0 : i32
      %dma_wait3A_147 = arith.constant 0 : i32
      %dma_wait3A_148 = tpu.memref_slice %arg4[%dma_wait3A_146, %dma_wait3A_147] : memref<10000x128xf32, #tpu.memory_space<hbm>> -> memref<10000x128xf32, #tpu.memory_space<hbm>>
      tpu.wait_indirect_dma semaphore(%arg10 : memref<!tpu.dma_semaphore, #tpu.memory_space<semaphore_mem>>) src(%dma_wait3A_148 : memref<10000x128xf32, #tpu.memory_space<hbm>>) dst(%dma_wait3A_144 : memref<80x128xf32, #tpu.memory_space<vmem>>)
      "tpu.region"() ({
        %run_scoped3A_219 = tpu.sem_alloc : memref<!tpu.dma_semaphore, #tpu.memory_space<semaphore_mem>>
        %dma_start3A_220 = arith.constant 0 : i32
        %dma_start3A_221 = arith.constant 0 : i32
        %dma_start3A_222 = tpu.memref_slice %arg8[%scan3A_68, %dma_start3A_220, %dma_start3A_221] : memref<2x80x128xf32, #tpu.memory_space<vmem>> -> memref<1x80x128xf32, #tpu.memory_space<vmem>>
        %dma_start3A_223 = tpu.memref_squeeze %dma_start3A_222 : memref<1x80x128xf32, #tpu.memory_space<vmem>> -> memref<80x128xf32, #tpu.memory_space<vmem>>
        %dma_start3A_224 = arith.constant 0 : i32
        %dma_start3A_225 = tpu.memref_slice %arg7[%mul3A_138, %dma_start3A_224] : memref<125x80xi32, #tpu.memory_space<vmem>> -> memref<1x80xi32, #tpu.memory_space<vmem>>
        %dma_start3A_226 = tpu.memref_squeeze %dma_start3A_225 : memref<1x80xi32, #tpu.memory_space<vmem>> -> memref<80xi32, #tpu.memory_space<vmem>>
        %dma_start3A_227 = arith.constant 0 : i32
        %dma_start3A_228 = arith.constant 0 : i32
        %dma_start3A_229 = tpu.memref_slice %arg9[%dma_start3A_227, %dma_start3A_228] : memref<10240x128xf32, #tpu.memory_space<vmem_shared>> -> memref<10240x128xf32, #tpu.memory_space<vmem_shared>>
        tpu.enqueue_indirect_dma source(%dma_start3A_223 : memref<80x128xf32, #tpu.memory_space<vmem>>) target(%dma_start3A_229 : memref<10240x128xf32, #tpu.memory_space<vmem_shared>>) offsets(%dma_start3A_226 : memref<80xi32, #tpu.memory_space<vmem>>) semaphore(%run_scoped3A_219 : memref<!tpu.dma_semaphore, #tpu.memory_space<semaphore_mem>>) {add = true}
        %dma_wait3A_230 = arith.constant 0 : i32
        %dma_wait3A_231 = arith.constant 0 : i32
        %dma_wait3A_232 = tpu.memref_slice %arg8[%scan3A_68, %dma_wait3A_230, %dma_wait3A_231] : memref<2x80x128xf32, #tpu.memory_space<vmem>> -> memref<1x80x128xf32, #tpu.memory_space<vmem>>
        %dma_wait3A_233 = tpu.memref_squeeze %dma_wait3A_232 : memref<1x80x128xf32, #tpu.memory_space<vmem>> -> memref<80x128xf32, #tpu.memory_space<vmem>>
        %dma_wait3A_234 = arith.constant 0 : i32
        %dma_wait3A_235 = tpu.memref_slice %arg7[%mul3A_138, %dma_wait3A_234] : memref<125x80xi32, #tpu.memory_space<vmem>> -> memref<1x80xi32, #tpu.memory_space<vmem>>
        %dma_wait3A_236 = tpu.memref_squeeze %dma_wait3A_235 : memref<1x80xi32, #tpu.memory_space<vmem>> -> memref<80xi32, #tpu.memory_space<vmem>>
        %dma_wait3A_237 = arith.constant 0 : i32
        %dma_wait3A_238 = arith.constant 0 : i32
        %dma_wait3A_239 = tpu.memref_slice %arg9[%dma_wait3A_237, %dma_wait3A_238] : memref<10240x128xf32, #tpu.memory_space<vmem_shared>> -> memref<10240x128xf32, #tpu.memory_space<vmem_shared>>
        tpu.wait_indirect_dma semaphore(%run_scoped3A_219 : memref<!tpu.dma_semaphore, #tpu.memory_space<semaphore_mem>>) src(%dma_wait3A_233 : memref<80x128xf32, #tpu.memory_space<vmem>>) dst(%dma_wait3A_239 : memref<10240x128xf32, #tpu.memory_space<vmem_shared>>)
        tpu.yield
      }) : () -> ()
      %add3A_149 = arith.constant 2 : i32
      %add3A_150 = arith.addi %mul3A_138, %add3A_149 : i32
      %mul3A_151 = arith.constant 80 : i32
      %mul3A_152 = arith.muli %add3A_150, %mul3A_151 : i32
      %dma_start3A_153 = arith.constant 0 : i32
      %dma_start3A_154 = arith.constant 0 : i32
      %dma_start3A_155 = tpu.memref_slice %arg8[%scan3A_68, %dma_start3A_153, %dma_start3A_154] : memref<2x80x128xf32, #tpu.memory_space<vmem>> -> memref<1x80x128xf32, #tpu.memory_space<vmem>>
      %dma_start3A_156 = tpu.memref_squeeze %dma_start3A_155 : memref<1x80x128xf32, #tpu.memory_space<vmem>> -> memref<80x128xf32, #tpu.memory_space<vmem>>
      %dma_start3A_157 = arith.constant 0 : i32
      %dma_start3A_158 = arith.constant 0 : i32
      %dma_start3A_159 = tpu.memref_slice %dma_start3A_156[%dma_start3A_157, %dma_start3A_158] : memref<80x128xf32, #tpu.memory_space<vmem>> -> memref<40x128xf32, #tpu.memory_space<vmem>>
      %dma_start3A_160 = tpu.memref_slice %arg6[%mul3A_152] : memref<10000xi32, #tpu.memory_space<vmem>> -> memref<40xi32, #tpu.memory_space<vmem>>
      %dma_start3A_161 = arith.constant 0 : i32
      %dma_start3A_162 = arith.constant 0 : i32
      %dma_start3A_163 = tpu.memref_slice %arg4[%dma_start3A_161, %dma_start3A_162] : memref<10000x128xf32, #tpu.memory_space<hbm>> -> memref<10000x128xf32, #tpu.memory_space<hbm>>
      tpu.enqueue_indirect_dma source(%dma_start3A_163 : memref<10000x128xf32, #tpu.memory_space<hbm>>) target(%dma_start3A_159 : memref<40x128xf32, #tpu.memory_space<vmem>>) offsets(%dma_start3A_160 : memref<40xi32, #tpu.memory_space<vmem>>) semaphore(%arg10 : memref<!tpu.dma_semaphore, #tpu.memory_space<semaphore_mem>>)
      %add3A_164 = arith.constant 40 : i32
      %add3A_165 = arith.addi %mul3A_152, %add3A_164 : i32
      %dma_start3A_166 = arith.constant 0 : i32
      %dma_start3A_167 = arith.constant 0 : i32
      %dma_start3A_168 = tpu.memref_slice %arg8[%scan3A_68, %dma_start3A_166, %dma_start3A_167] : memref<2x80x128xf32, #tpu.memory_space<vmem>> -> memref<1x80x128xf32, #tpu.memory_space<vmem>>
      %dma_start3A_169 = tpu.memref_squeeze %dma_start3A_168 : memref<1x80x128xf32, #tpu.memory_space<vmem>> -> memref<80x128xf32, #tpu.memory_space<vmem>>
      %dma_start3A_170 = arith.constant 40 : i32
      %dma_start3A_171 = arith.constant 0 : i32
      %dma_start3A_172 = tpu.memref_slice %dma_start3A_169[%dma_start3A_170, %dma_start3A_171] : memref<80x128xf32, #tpu.memory_space<vmem>> -> memref<40x128xf32, #tpu.memory_space<vmem>>
      %dma_start3A_173 = tpu.memref_slice %arg6[%add3A_165] : memref<10000xi32, #tpu.memory_space<vmem>> -> memref<40xi32, #tpu.memory_space<vmem>>
      %dma_start3A_174 = arith.constant 0 : i32
      %dma_start3A_175 = arith.constant 0 : i32
      %dma_start3A_176 = tpu.memref_slice %arg4[%dma_start3A_174, %dma_start3A_175] : memref<10000x128xf32, #tpu.memory_space<hbm>> -> memref<10000x128xf32, #tpu.memory_space<hbm>>
      tpu.enqueue_indirect_dma source(%dma_start3A_176 : memref<10000x128xf32, #tpu.memory_space<hbm>>) target(%dma_start3A_172 : memref<40x128xf32, #tpu.memory_space<vmem>>) offsets(%dma_start3A_173 : memref<40xi32, #tpu.memory_space<vmem>>) semaphore(%arg10 : memref<!tpu.dma_semaphore, #tpu.memory_space<semaphore_mem>>)
      %add3A_177 = arith.constant 1 : i32
      %add3A_178 = arith.addi %mul3A_138, %add3A_177 : i32
      %mul3A_179 = arith.constant 80 : i32
      %mul3A_180 = arith.muli %add3A_178, %mul3A_179 : i32
      %dma_wait3A_181 = arith.constant 0 : i32
      %dma_wait3A_182 = arith.constant 0 : i32
      %dma_wait3A_183 = tpu.memref_slice %arg8[%scan3A_69, %dma_wait3A_181, %dma_wait3A_182] : memref<2x80x128xf32, #tpu.memory_space<vmem>> -> memref<1x80x128xf32, #tpu.memory_space<vmem>>
      %dma_wait3A_184 = tpu.memref_squeeze %dma_wait3A_183 : memref<1x80x128xf32, #tpu.memory_space<vmem>> -> memref<80x128xf32, #tpu.memory_space<vmem>>
      %dma_wait3A_185 = tpu.memref_slice %arg6[%mul3A_180] : memref<10000xi32, #tpu.memory_space<vmem>> -> memref<80xi32, #tpu.memory_space<vmem>>
      %dma_wait3A_186 = arith.constant 0 : i32
      %dma_wait3A_187 = arith.constant 0 : i32
      %dma_wait3A_188 = tpu.memref_slice %arg4[%dma_wait3A_186, %dma_wait3A_187] : memref<10000x128xf32, #tpu.memory_space<hbm>> -> memref<10000x128xf32, #tpu.memory_space<hbm>>
      tpu.wait_indirect_dma semaphore(%arg11 : memref<!tpu.dma_semaphore, #tpu.memory_space<semaphore_mem>>) src(%dma_wait3A_188 : memref<10000x128xf32, #tpu.memory_space<hbm>>) dst(%dma_wait3A_184 : memref<80x128xf32, #tpu.memory_space<vmem>>)
      %add3A_189 = arith.constant 1 : i32
      %add3A_190 = arith.addi %mul3A_138, %add3A_189 : i32
      "tpu.region"() ({
        %run_scoped3A_219 = tpu.sem_alloc : memref<!tpu.dma_semaphore, #tpu.memory_space<semaphore_mem>>
        %dma_start3A_220 = arith.constant 0 : i32
        %dma_start3A_221 = arith.constant 0 : i32
        %dma_start3A_222 = tpu.memref_slice %arg8[%scan3A_69, %dma_start3A_220, %dma_start3A_221] : memref<2x80x128xf32, #tpu.memory_space<vmem>> -> memref<1x80x128xf32, #tpu.memory_space<vmem>>
        %dma_start3A_223 = tpu.memref_squeeze %dma_start3A_222 : memref<1x80x128xf32, #tpu.memory_space<vmem>> -> memref<80x128xf32, #tpu.memory_space<vmem>>
        %dma_start3A_224 = arith.constant 0 : i32
        %dma_start3A_225 = tpu.memref_slice %arg7[%add3A_190, %dma_start3A_224] : memref<125x80xi32, #tpu.memory_space<vmem>> -> memref<1x80xi32, #tpu.memory_space<vmem>>
        %dma_start3A_226 = tpu.memref_squeeze %dma_start3A_225 : memref<1x80xi32, #tpu.memory_space<vmem>> -> memref<80xi32, #tpu.memory_space<vmem>>
        %dma_start3A_227 = arith.constant 0 : i32
        %dma_start3A_228 = arith.constant 0 : i32
        %dma_start3A_229 = tpu.memref_slice %arg9[%dma_start3A_227, %dma_start3A_228] : memref<10240x128xf32, #tpu.memory_space<vmem_shared>> -> memref<10240x128xf32, #tpu.memory_space<vmem_shared>>
        tpu.enqueue_indirect_dma source(%dma_start3A_223 : memref<80x128xf32, #tpu.memory_space<vmem>>) target(%dma_start3A_229 : memref<10240x128xf32, #tpu.memory_space<vmem_shared>>) offsets(%dma_start3A_226 : memref<80xi32, #tpu.memory_space<vmem>>) semaphore(%run_scoped3A_219 : memref<!tpu.dma_semaphore, #tpu.memory_space<semaphore_mem>>) {add = true}
        %dma_wait3A_230 = arith.constant 0 : i32
        %dma_wait3A_231 = arith.constant 0 : i32
        %dma_wait3A_232 = tpu.memref_slice %arg8[%scan3A_69, %dma_wait3A_230, %dma_wait3A_231] : memref<2x80x128xf32, #tpu.memory_space<vmem>> -> memref<1x80x128xf32, #tpu.memory_space<vmem>>
        %dma_wait3A_233 = tpu.memref_squeeze %dma_wait3A_232 : memref<1x80x128xf32, #tpu.memory_space<vmem>> -> memref<80x128xf32, #tpu.memory_space<vmem>>
        %dma_wait3A_234 = arith.constant 0 : i32
        %dma_wait3A_235 = tpu.memref_slice %arg7[%add3A_190, %dma_wait3A_234] : memref<125x80xi32, #tpu.memory_space<vmem>> -> memref<1x80xi32, #tpu.memory_space<vmem>>
        %dma_wait3A_236 = tpu.memref_squeeze %dma_wait3A_235 : memref<1x80xi32, #tpu.memory_space<vmem>> -> memref<80xi32, #tpu.memory_space<vmem>>
        %dma_wait3A_237 = arith.constant 0 : i32
        %dma_wait3A_238 = arith.constant 0 : i32
        %dma_wait3A_239 = tpu.memref_slice %arg9[%dma_wait3A_237, %dma_wait3A_238] : memref<10240x128xf32, #tpu.memory_space<vmem_shared>> -> memref<10240x128xf32, #tpu.memory_space<vmem_shared>>
        tpu.wait_indirect_dma semaphore(%run_scoped3A_219 : memref<!tpu.dma_semaphore, #tpu.memory_space<semaphore_mem>>) src(%dma_wait3A_233 : memref<80x128xf32, #tpu.memory_space<vmem>>) dst(%dma_wait3A_239 : memref<10240x128xf32, #tpu.memory_space<vmem_shared>>)
        tpu.yield
      }) : () -> ()
      %add3A_191 = arith.constant 3 : i32
      %add3A_192 = arith.addi %mul3A_138, %add3A_191 : i32
      %mul3A_193 = arith.constant 80 : i32
      %mul3A_194 = arith.muli %add3A_192, %mul3A_193 : i32
      %dma_start3A_195 = arith.constant 0 : i32
      %dma_start3A_196 = arith.constant 0 : i32
      %dma_start3A_197 = tpu.memref_slice %arg8[%scan3A_69, %dma_start3A_195, %dma_start3A_196] : memref<2x80x128xf32, #tpu.memory_space<vmem>> -> memref<1x80x128xf32, #tpu.memory_space<vmem>>
      %dma_start3A_198 = tpu.memref_squeeze %dma_start3A_197 : memref<1x80x128xf32, #tpu.memory_space<vmem>> -> memref<80x128xf32, #tpu.memory_space<vmem>>
      %dma_start3A_199 = arith.constant 0 : i32
      %dma_start3A_200 = arith.constant 0 : i32
      %dma_start3A_201 = tpu.memref_slice %dma_start3A_198[%dma_start3A_199, %dma_start3A_200] : memref<80x128xf32, #tpu.memory_space<vmem>> -> memref<40x128xf32, #tpu.memory_space<vmem>>
      %dma_start3A_202 = tpu.memref_slice %arg6[%mul3A_194] : memref<10000xi32, #tpu.memory_space<vmem>> -> memref<40xi32, #tpu.memory_space<vmem>>
      %dma_start3A_203 = arith.constant 0 : i32
      %dma_start3A_204 = arith.constant 0 : i32
      %dma_start3A_205 = tpu.memref_slice %arg4[%dma_start3A_203, %dma_start3A_204] : memref<10000x128xf32, #tpu.memory_space<hbm>> -> memref<10000x128xf32, #tpu.memory_space<hbm>>
      tpu.enqueue_indirect_dma source(%dma_start3A_205 : memref<10000x128xf32, #tpu.memory_space<hbm>>) target(%dma_start3A_201 : memref<40x128xf32, #tpu.memory_space<vmem>>) offsets(%dma_start3A_202 : memref<40xi32, #tpu.memory_space<vmem>>) semaphore(%arg11 : memref<!tpu.dma_semaphore, #tpu.memory_space<semaphore_mem>>)
      %add3A_206 = arith.constant 40 : i32
      %add3A_207 = arith.addi %mul3A_194, %add3A_206 : i32
      %dma_start3A_208 = arith.constant 0 : i32
      %dma_start3A_209 = arith.constant 0 : i32
      %dma_start3A_210 = tpu.memref_slice %arg8[%scan3A_69, %dma_start3A_208, %dma_start3A_209] : memref<2x80x128xf32, #tpu.memory_space<vmem>> -> memref<1x80x128xf32, #tpu.memory_space<vmem>>
      %dma_start3A_211 = tpu.memref_squeeze %dma_start3A_210 : memref<1x80x128xf32, #tpu.memory_space<vmem>> -> memref<80x128xf32, #tpu.memory_space<vmem>>
      %dma_start3A_212 = arith.constant 40 : i32
      %dma_start3A_213 = arith.constant 0 : i32
      %dma_start3A_214 = tpu.memref_slice %dma_start3A_211[%dma_start3A_212, %dma_start3A_213] : memref<80x128xf32, #tpu.memory_space<vmem>> -> memref<40x128xf32, #tpu.memory_space<vmem>>
      %dma_start3A_215 = tpu.memref_slice %arg6[%add3A_207] : memref<10000xi32, #tpu.memory_space<vmem>> -> memref<40xi32, #tpu.memory_space<vmem>>
      %dma_start3A_216 = arith.constant 0 : i32
      %dma_start3A_217 = arith.constant 0 : i32
      %dma_start3A_218 = tpu.memref_slice %arg4[%dma_start3A_216, %dma_start3A_217] : memref<10000x128xf32, #tpu.memory_space<hbm>> -> memref<10000x128xf32, #tpu.memory_space<hbm>>
      tpu.enqueue_indirect_dma source(%dma_start3A_218 : memref<10000x128xf32, #tpu.memory_space<hbm>>) target(%dma_start3A_214 : memref<40x128xf32, #tpu.memory_space<vmem>>) offsets(%dma_start3A_215 : memref<40xi32, #tpu.memory_space<vmem>>) semaphore(%arg11 : memref<!tpu.dma_semaphore, #tpu.memory_space<semaphore_mem>>)
    }
    %scan3A_74 = arith.constant 61 : i32
    %dma_wait3A = arith.constant 0 : i32
    %dma_wait3A_75 = arith.constant 0 : i32
    %dma_wait3A_76 = arith.constant 0 : i32
    %dma_wait3A_77 = tpu.memref_slice %arg8[%dma_wait3A, %dma_wait3A_75, %dma_wait3A_76] : memref<2x80x128xf32, #tpu.memory_space<vmem>> -> memref<1x80x128xf32, #tpu.memory_space<vmem>>
    %dma_wait3A_78 = tpu.memref_squeeze %dma_wait3A_77 : memref<1x80x128xf32, #tpu.memory_space<vmem>> -> memref<80x128xf32, #tpu.memory_space<vmem>>
    %dma_wait3A_79 = arith.constant 9760 : i32
    %dma_wait3A_80 = tpu.memref_slice %arg6[%dma_wait3A_79] : memref<10000xi32, #tpu.memory_space<vmem>> -> memref<80xi32, #tpu.memory_space<vmem>>
    %dma_wait3A_81 = arith.constant 0 : i32
    %dma_wait3A_82 = arith.constant 0 : i32
    %dma_wait3A_83 = tpu.memref_slice %arg4[%dma_wait3A_81, %dma_wait3A_82] : memref<10000x128xf32, #tpu.memory_space<hbm>> -> memref<10000x128xf32, #tpu.memory_space<hbm>>
    tpu.wait_indirect_dma semaphore(%arg10 : memref<!tpu.dma_semaphore, #tpu.memory_space<semaphore_mem>>) src(%dma_wait3A_83 : memref<10000x128xf32, #tpu.memory_space<hbm>>) dst(%dma_wait3A_78 : memref<80x128xf32, #tpu.memory_space<vmem>>)
    %run_scoped3A = arith.constant 0 : i32
    %run_scoped3A_84 = arith.constant 122 : i32
    "tpu.region"() ({
      %run_scoped3A_136 = tpu.sem_alloc : memref<!tpu.dma_semaphore, #tpu.memory_space<semaphore_mem>>
      %dma_start3A_137 = arith.constant 0 : i32
      %dma_start3A_138 = arith.constant 0 : i32
      %dma_start3A_139 = tpu.memref_slice %arg8[%run_scoped3A, %dma_start3A_137, %dma_start3A_138] : memref<2x80x128xf32, #tpu.memory_space<vmem>> -> memref<1x80x128xf32, #tpu.memory_space<vmem>>
      %dma_start3A_140 = tpu.memref_squeeze %dma_start3A_139 : memref<1x80x128xf32, #tpu.memory_space<vmem>> -> memref<80x128xf32, #tpu.memory_space<vmem>>
      %dma_start3A_141 = arith.constant 0 : i32
      %dma_start3A_142 = tpu.memref_slice %arg7[%run_scoped3A_84, %dma_start3A_141] : memref<125x80xi32, #tpu.memory_space<vmem>> -> memref<1x80xi32, #tpu.memory_space<vmem>>
      %dma_start3A_143 = tpu.memref_squeeze %dma_start3A_142 : memref<1x80xi32, #tpu.memory_space<vmem>> -> memref<80xi32, #tpu.memory_space<vmem>>
      %dma_start3A_144 = arith.constant 0 : i32
      %dma_start3A_145 = arith.constant 0 : i32
      %dma_start3A_146 = tpu.memref_slice %arg9[%dma_start3A_144, %dma_start3A_145] : memref<10240x128xf32, #tpu.memory_space<vmem_shared>> -> memref<10240x128xf32, #tpu.memory_space<vmem_shared>>
      tpu.enqueue_indirect_dma source(%dma_start3A_140 : memref<80x128xf32, #tpu.memory_space<vmem>>) target(%dma_start3A_146 : memref<10240x128xf32, #tpu.memory_space<vmem_shared>>) offsets(%dma_start3A_143 : memref<80xi32, #tpu.memory_space<vmem>>) semaphore(%run_scoped3A_136 : memref<!tpu.dma_semaphore, #tpu.memory_space<semaphore_mem>>) {add = true}
      %dma_wait3A_147 = arith.constant 0 : i32
      %dma_wait3A_148 = arith.constant 0 : i32
      %dma_wait3A_149 = tpu.memref_slice %arg8[%run_scoped3A, %dma_wait3A_147, %dma_wait3A_148] : memref<2x80x128xf32, #tpu.memory_space<vmem>> -> memref<1x80x128xf32, #tpu.memory_space<vmem>>
      %dma_wait3A_150 = tpu.memref_squeeze %dma_wait3A_149 : memref<1x80x128xf32, #tpu.memory_space<vmem>> -> memref<80x128xf32, #tpu.memory_space<vmem>>
      %dma_wait3A_151 = arith.constant 0 : i32
      %dma_wait3A_152 = tpu.memref_slice %arg7[%run_scoped3A_84, %dma_wait3A_151] : memref<125x80xi32, #tpu.memory_space<vmem>> -> memref<1x80xi32, #tpu.memory_space<vmem>>
      %dma_wait3A_153 = tpu.memref_squeeze %dma_wait3A_152 : memref<1x80xi32, #tpu.memory_space<vmem>> -> memref<80xi32, #tpu.memory_space<vmem>>
      %dma_wait3A_154 = arith.constant 0 : i32
      %dma_wait3A_155 = arith.constant 0 : i32
      %dma_wait3A_156 = tpu.memref_slice %arg9[%dma_wait3A_154, %dma_wait3A_155] : memref<10240x128xf32, #tpu.memory_space<vmem_shared>> -> memref<10240x128xf32, #tpu.memory_space<vmem_shared>>
      tpu.wait_indirect_dma semaphore(%run_scoped3A_136 : memref<!tpu.dma_semaphore, #tpu.memory_space<semaphore_mem>>) src(%dma_wait3A_150 : memref<80x128xf32, #tpu.memory_space<vmem>>) dst(%dma_wait3A_156 : memref<10240x128xf32, #tpu.memory_space<vmem_shared>>)
      tpu.yield
    }) : () -> ()
    %dma_start3A_85 = arith.constant 0 : i32
    %dma_start3A_86 = arith.constant 0 : i32
    %dma_start3A_87 = arith.constant 0 : i32
    %dma_start3A_88 = tpu.memref_slice %arg8[%dma_start3A_85, %dma_start3A_86, %dma_start3A_87] : memref<2x80x128xf32, #tpu.memory_space<vmem>> -> memref<1x80x128xf32, #tpu.memory_space<vmem>>
    %dma_start3A_89 = tpu.memref_squeeze %dma_start3A_88 : memref<1x80x128xf32, #tpu.memory_space<vmem>> -> memref<80x128xf32, #tpu.memory_space<vmem>>
    %dma_start3A_90 = arith.constant 0 : i32
    %dma_start3A_91 = arith.constant 0 : i32
    %dma_start3A_92 = tpu.memref_slice %dma_start3A_89[%dma_start3A_90, %dma_start3A_91] : memref<80x128xf32, #tpu.memory_space<vmem>> -> memref<40x128xf32, #tpu.memory_space<vmem>>
    %dma_start3A_93 = arith.constant 9920 : i32
    %dma_start3A_94 = tpu.memref_slice %arg6[%dma_start3A_93] : memref<10000xi32, #tpu.memory_space<vmem>> -> memref<40xi32, #tpu.memory_space<vmem>>
    %dma_start3A_95 = arith.constant 0 : i32
    %dma_start3A_96 = arith.constant 0 : i32
    %dma_start3A_97 = tpu.memref_slice %arg4[%dma_start3A_95, %dma_start3A_96] : memref<10000x128xf32, #tpu.memory_space<hbm>> -> memref<10000x128xf32, #tpu.memory_space<hbm>>
    tpu.enqueue_indirect_dma source(%dma_start3A_97 : memref<10000x128xf32, #tpu.memory_space<hbm>>) target(%dma_start3A_92 : memref<40x128xf32, #tpu.memory_space<vmem>>) offsets(%dma_start3A_94 : memref<40xi32, #tpu.memory_space<vmem>>) semaphore(%arg10 : memref<!tpu.dma_semaphore, #tpu.memory_space<semaphore_mem>>)
    %dma_start3A_98 = arith.constant 0 : i32
    %dma_start3A_99 = arith.constant 0 : i32
    %dma_start3A_100 = arith.constant 0 : i32
    %dma_start3A_101 = tpu.memref_slice %arg8[%dma_start3A_98, %dma_start3A_99, %dma_start3A_100] : memref<2x80x128xf32, #tpu.memory_space<vmem>> -> memref<1x80x128xf32, #tpu.memory_space<vmem>>
    %dma_start3A_102 = tpu.memref_squeeze %dma_start3A_101 : memref<1x80x128xf32, #tpu.memory_space<vmem>> -> memref<80x128xf32, #tpu.memory_space<vmem>>
    %dma_start3A_103 = arith.constant 40 : i32
    %dma_start3A_104 = arith.constant 0 : i32
    %dma_start3A_105 = tpu.memref_slice %dma_start3A_102[%dma_start3A_103, %dma_start3A_104] : memref<80x128xf32, #tpu.memory_space<vmem>> -> memref<40x128xf32, #tpu.memory_space<vmem>>
    %dma_start3A_106 = arith.constant 9960 : i32
    %dma_start3A_107 = tpu.memref_slice %arg6[%dma_start3A_106] : memref<10000xi32, #tpu.memory_space<vmem>> -> memref<40xi32, #tpu.memory_space<vmem>>
    %dma_start3A_108 = arith.constant 0 : i32
    %dma_start3A_109 = arith.constant 0 : i32
    %dma_start3A_110 = tpu.memref_slice %arg4[%dma_start3A_108, %dma_start3A_109] : memref<10000x128xf32, #tpu.memory_space<hbm>> -> memref<10000x128xf32, #tpu.memory_space<hbm>>
    tpu.enqueue_indirect_dma source(%dma_start3A_110 : memref<10000x128xf32, #tpu.memory_space<hbm>>) target(%dma_start3A_105 : memref<40x128xf32, #tpu.memory_space<vmem>>) offsets(%dma_start3A_107 : memref<40xi32, #tpu.memory_space<vmem>>) semaphore(%arg10 : memref<!tpu.dma_semaphore, #tpu.memory_space<semaphore_mem>>)
    %dma_wait3A_111 = arith.constant 1 : i32
    %dma_wait3A_112 = arith.constant 0 : i32
    %dma_wait3A_113 = arith.constant 0 : i32
    %dma_wait3A_114 = tpu.memref_slice %arg8[%dma_wait3A_111, %dma_wait3A_112, %dma_wait3A_113] : memref<2x80x128xf32, #tpu.memory_space<vmem>> -> memref<1x80x128xf32, #tpu.memory_space<vmem>>
    %dma_wait3A_115 = tpu.memref_squeeze %dma_wait3A_114 : memref<1x80x128xf32, #tpu.memory_space<vmem>> -> memref<80x128xf32, #tpu.memory_space<vmem>>
    %dma_wait3A_116 = arith.constant 9840 : i32
    %dma_wait3A_117 = tpu.memref_slice %arg6[%dma_wait3A_116] : memref<10000xi32, #tpu.memory_space<vmem>> -> memref<80xi32, #tpu.memory_space<vmem>>
    %dma_wait3A_118 = arith.constant 0 : i32
    %dma_wait3A_119 = arith.constant 0 : i32
    %dma_wait3A_120 = tpu.memref_slice %arg4[%dma_wait3A_118, %dma_wait3A_119] : memref<10000x128xf32, #tpu.memory_space<hbm>> -> memref<10000x128xf32, #tpu.memory_space<hbm>>
    tpu.wait_indirect_dma semaphore(%arg11 : memref<!tpu.dma_semaphore, #tpu.memory_space<semaphore_mem>>) src(%dma_wait3A_120 : memref<10000x128xf32, #tpu.memory_space<hbm>>) dst(%dma_wait3A_115 : memref<80x128xf32, #tpu.memory_space<vmem>>)
    %run_scoped3A_121 = arith.constant 1 : i32
    %run_scoped3A_122 = arith.constant 123 : i32
    "tpu.region"() ({
      %run_scoped3A_136 = tpu.sem_alloc : memref<!tpu.dma_semaphore, #tpu.memory_space<semaphore_mem>>
      %dma_start3A_137 = arith.constant 0 : i32
      %dma_start3A_138 = arith.constant 0 : i32
      %dma_start3A_139 = tpu.memref_slice %arg8[%run_scoped3A_121, %dma_start3A_137, %dma_start3A_138] : memref<2x80x128xf32, #tpu.memory_space<vmem>> -> memref<1x80x128xf32, #tpu.memory_space<vmem>>
      %dma_start3A_140 = tpu.memref_squeeze %dma_start3A_139 : memref<1x80x128xf32, #tpu.memory_space<vmem>> -> memref<80x128xf32, #tpu.memory_space<vmem>>
      %dma_start3A_141 = arith.constant 0 : i32
      %dma_start3A_142 = tpu.memref_slice %arg7[%run_scoped3A_122, %dma_start3A_141] : memref<125x80xi32, #tpu.memory_space<vmem>> -> memref<1x80xi32, #tpu.memory_space<vmem>>
      %dma_start3A_143 = tpu.memref_squeeze %dma_start3A_142 : memref<1x80xi32, #tpu.memory_space<vmem>> -> memref<80xi32, #tpu.memory_space<vmem>>
      %dma_start3A_144 = arith.constant 0 : i32
      %dma_start3A_145 = arith.constant 0 : i32
      %dma_start3A_146 = tpu.memref_slice %arg9[%dma_start3A_144, %dma_start3A_145] : memref<10240x128xf32, #tpu.memory_space<vmem_shared>> -> memref<10240x128xf32, #tpu.memory_space<vmem_shared>>
      tpu.enqueue_indirect_dma source(%dma_start3A_140 : memref<80x128xf32, #tpu.memory_space<vmem>>) target(%dma_start3A_146 : memref<10240x128xf32, #tpu.memory_space<vmem_shared>>) offsets(%dma_start3A_143 : memref<80xi32, #tpu.memory_space<vmem>>) semaphore(%run_scoped3A_136 : memref<!tpu.dma_semaphore, #tpu.memory_space<semaphore_mem>>) {add = true}
      %dma_wait3A_147 = arith.constant 0 : i32
      %dma_wait3A_148 = arith.constant 0 : i32
      %dma_wait3A_149 = tpu.memref_slice %arg8[%run_scoped3A_121, %dma_wait3A_147, %dma_wait3A_148] : memref<2x80x128xf32, #tpu.memory_space<vmem>> -> memref<1x80x128xf32, #tpu.memory_space<vmem>>
      %dma_wait3A_150 = tpu.memref_squeeze %dma_wait3A_149 : memref<1x80x128xf32, #tpu.memory_space<vmem>> -> memref<80x128xf32, #tpu.memory_space<vmem>>
      %dma_wait3A_151 = arith.constant 0 : i32
      %dma_wait3A_152 = tpu.memref_slice %arg7[%run_scoped3A_122, %dma_wait3A_151] : memref<125x80xi32, #tpu.memory_space<vmem>> -> memref<1x80xi32, #tpu.memory_space<vmem>>
      %dma_wait3A_153 = tpu.memref_squeeze %dma_wait3A_152 : memref<1x80xi32, #tpu.memory_space<vmem>> -> memref<80xi32, #tpu.memory_space<vmem>>
      %dma_wait3A_154 = arith.constant 0 : i32
      %dma_wait3A_155 = arith.constant 0 : i32
      %dma_wait3A_156 = tpu.memref_slice %arg9[%dma_wait3A_154, %dma_wait3A_155] : memref<10240x128xf32, #tpu.memory_space<vmem_shared>> -> memref<10240x128xf32, #tpu.memory_space<vmem_shared>>
      tpu.wait_indirect_dma semaphore(%run_scoped3A_136 : memref<!tpu.dma_semaphore, #tpu.memory_space<semaphore_mem>>) src(%dma_wait3A_150 : memref<80x128xf32, #tpu.memory_space<vmem>>) dst(%dma_wait3A_156 : memref<10240x128xf32, #tpu.memory_space<vmem_shared>>)
      tpu.yield
    }) : () -> ()
    %dma_wait3A_123 = arith.constant 0 : i32
    %dma_wait3A_124 = arith.constant 0 : i32
    %dma_wait3A_125 = arith.constant 0 : i32
    %dma_wait3A_126 = tpu.memref_slice %arg8[%dma_wait3A_123, %dma_wait3A_124, %dma_wait3A_125] : memref<2x80x128xf32, #tpu.memory_space<vmem>> -> memref<1x80x128xf32, #tpu.memory_space<vmem>>
    %dma_wait3A_127 = tpu.memref_squeeze %dma_wait3A_126 : memref<1x80x128xf32, #tpu.memory_space<vmem>> -> memref<80x128xf32, #tpu.memory_space<vmem>>
    %dma_wait3A_128 = arith.constant 9920 : i32
    %dma_wait3A_129 = tpu.memref_slice %arg6[%dma_wait3A_128] : memref<10000xi32, #tpu.memory_space<vmem>> -> memref<80xi32, #tpu.memory_space<vmem>>
    %dma_wait3A_130 = arith.constant 0 : i32
    %dma_wait3A_131 = arith.constant 0 : i32
    %dma_wait3A_132 = tpu.memref_slice %arg4[%dma_wait3A_130, %dma_wait3A_131] : memref<10000x128xf32, #tpu.memory_space<hbm>> -> memref<10000x128xf32, #tpu.memory_space<hbm>>
    tpu.wait_indirect_dma semaphore(%arg10 : memref<!tpu.dma_semaphore, #tpu.memory_space<semaphore_mem>>) src(%dma_wait3A_132 : memref<10000x128xf32, #tpu.memory_space<hbm>>) dst(%dma_wait3A_127 : memref<80x128xf32, #tpu.memory_space<vmem>>)
    %run_scoped3A_133 = arith.constant 0 : i32
    %run_scoped3A_134 = arith.constant 124 : i32
    "tpu.region"() ({
      %run_scoped3A_136 = tpu.sem_alloc : memref<!tpu.dma_semaphore, #tpu.memory_space<semaphore_mem>>
      %dma_start3A_137 = arith.constant 0 : i32
      %dma_start3A_138 = arith.constant 0 : i32
      %dma_start3A_139 = tpu.memref_slice %arg8[%run_scoped3A_133, %dma_start3A_137, %dma_start3A_138] : memref<2x80x128xf32, #tpu.memory_space<vmem>> -> memref<1x80x128xf32, #tpu.memory_space<vmem>>
      %dma_start3A_140 = tpu.memref_squeeze %dma_start3A_139 : memref<1x80x128xf32, #tpu.memory_space<vmem>> -> memref<80x128xf32, #tpu.memory_space<vmem>>
      %dma_start3A_141 = arith.constant 0 : i32
      %dma_start3A_142 = tpu.memref_slice %arg7[%run_scoped3A_134, %dma_start3A_141] : memref<125x80xi32, #tpu.memory_space<vmem>> -> memref<1x80xi32, #tpu.memory_space<vmem>>
      %dma_start3A_143 = tpu.memref_squeeze %dma_start3A_142 : memref<1x80xi32, #tpu.memory_space<vmem>> -> memref<80xi32, #tpu.memory_space<vmem>>
      %dma_start3A_144 = arith.constant 0 : i32
      %dma_start3A_145 = arith.constant 0 : i32
      %dma_start3A_146 = tpu.memref_slice %arg9[%dma_start3A_144, %dma_start3A_145] : memref<10240x128xf32, #tpu.memory_space<vmem_shared>> -> memref<10240x128xf32, #tpu.memory_space<vmem_shared>>
      tpu.enqueue_indirect_dma source(%dma_start3A_140 : memref<80x128xf32, #tpu.memory_space<vmem>>) target(%dma_start3A_146 : memref<10240x128xf32, #tpu.memory_space<vmem_shared>>) offsets(%dma_start3A_143 : memref<80xi32, #tpu.memory_space<vmem>>) semaphore(%run_scoped3A_136 : memref<!tpu.dma_semaphore, #tpu.memory_space<semaphore_mem>>) {add = true}
      %dma_wait3A_147 = arith.constant 0 : i32
      %dma_wait3A_148 = arith.constant 0 : i32
      %dma_wait3A_149 = tpu.memref_slice %arg8[%run_scoped3A_133, %dma_wait3A_147, %dma_wait3A_148] : memref<2x80x128xf32, #tpu.memory_space<vmem>> -> memref<1x80x128xf32, #tpu.memory_space<vmem>>
      %dma_wait3A_150 = tpu.memref_squeeze %dma_wait3A_149 : memref<1x80x128xf32, #tpu.memory_space<vmem>> -> memref<80x128xf32, #tpu.memory_space<vmem>>
      %dma_wait3A_151 = arith.constant 0 : i32
      %dma_wait3A_152 = tpu.memref_slice %arg7[%run_scoped3A_134, %dma_wait3A_151] : memref<125x80xi32, #tpu.memory_space<vmem>> -> memref<1x80xi32, #tpu.memory_space<vmem>>
      %dma_wait3A_153 = tpu.memref_squeeze %dma_wait3A_152 : memref<1x80xi32, #tpu.memory_space<vmem>> -> memref<80xi32, #tpu.memory_space<vmem>>
      %dma_wait3A_154 = arith.constant 0 : i32
      %dma_wait3A_155 = arith.constant 0 : i32
      %dma_wait3A_156 = tpu.memref_slice %arg9[%dma_wait3A_154, %dma_wait3A_155] : memref<10240x128xf32, #tpu.memory_space<vmem_shared>> -> memref<10240x128xf32, #tpu.memory_space<vmem_shared>>
      tpu.wait_indirect_dma semaphore(%run_scoped3A_136 : memref<!tpu.dma_semaphore, #tpu.memory_space<semaphore_mem>>) src(%dma_wait3A_150 : memref<80x128xf32, #tpu.memory_space<vmem>>) dst(%dma_wait3A_156 : memref<10240x128xf32, #tpu.memory_space<vmem_shared>>)
      tpu.yield
    }) : () -> ()
    %barrier3A_135 = arith.constant 0 : index
    tpu.barrier barrier_id(%barrier3A_135)
    "tpu.region"() ({
      %run_scoped3A_136 = tpu.sem_alloc : memref<!tpu.dma_semaphore, #tpu.memory_space<semaphore_mem>>
      %dma_start3A_137 = arith.constant 0 : i32
      %dma_start3A_138 = tpu.memref_slice %arg5[%arg0, %mul3A_8, %dma_start3A_137] : memref<2x10240x128xf32, #tpu.memory_space<hbm>> -> memref<1x640x128xf32, #tpu.memory_space<hbm>>
      %dma_start3A_139 = tpu.memref_squeeze %dma_start3A_138 : memref<1x640x128xf32, #tpu.memory_space<hbm>> -> memref<640x128xf32, #tpu.memory_space<hbm>>
      %dma_start3A_140 = arith.constant 0 : i32
      %dma_start3A_141 = tpu.memref_slice %arg9[%mul3A_8, %dma_start3A_140] : memref<10240x128xf32, #tpu.memory_space<vmem_shared>> -> memref<640x128xf32, #tpu.memory_space<vmem_shared>>
      tpu.enqueue_dma source(%dma_start3A_141 : memref<640x128xf32, #tpu.memory_space<vmem_shared>>) target(%dma_start3A_139 : memref<640x128xf32, #tpu.memory_space<hbm>>) target_semaphore(%run_scoped3A_136 : memref<!tpu.dma_semaphore, #tpu.memory_space<semaphore_mem>>)
      %dma_wait3A_142 = arith.constant 0 : i32
      %dma_wait3A_143 = tpu.memref_slice %arg5[%arg0, %mul3A_8, %dma_wait3A_142] : memref<2x10240x128xf32, #tpu.memory_space<hbm>> -> memref<1x640x128xf32, #tpu.memory_space<hbm>>
      %dma_wait3A_144 = tpu.memref_squeeze %dma_wait3A_143 : memref<1x640x128xf32, #tpu.memory_space<hbm>> -> memref<640x128xf32, #tpu.memory_space<hbm>>
      %dma_wait3A_145 = arith.constant 0 : i32
      %dma_wait3A_146 = tpu.memref_slice %arg9[%mul3A_8, %dma_wait3A_145] : memref<10240x128xf32, #tpu.memory_space<vmem_shared>> -> memref<640x128xf32, #tpu.memory_space<vmem_shared>>
      tpu.wait_dma2 semaphore(%run_scoped3A_136 : memref<!tpu.dma_semaphore, #tpu.memory_space<semaphore_mem>>) src(%dma_wait3A_146 : memref<640x128xf32, #tpu.memory_space<vmem_shared>>) dst(%dma_wait3A_144 : memref<640x128xf32, #tpu.memory_space<hbm>>)
      tpu.yield
    }) : () -> ()
    return
  }
}

module attributes {stable_mosaic.version = 14 : i64} {
  func.func @body(%arg0: i32, %arg1: memref<2x1000x128xf32, #tpu.memory_space<vmem>>, %arg2: memref<128x128xf32, #tpu.memory_space<vmem>>, %arg3: memref<1x128xf32, #tpu.memory_space<vmem>>, %arg4: memref<1000x128xf32, #tpu.memory_space<vmem>>) attributes {dimension_semantics = [#tpu.dimension_semantics<arbitrary>], iteration_bounds = array<i64: 10>, scalar_prefetch = 0 : i64, scratch_operands = 0 : i64, tpu.core_type = #tpu.core_type<tc>, window_params = [{transform_indices = @transform_0, window_bounds = array<i64: 2, 1000, 128>}, {pipeline_mode = #tpu.pipeline_mode<synchronous>, transform_indices = @transform_1, window_bounds = array<i64: 128, 128>}, {pipeline_mode = #tpu.pipeline_mode<synchronous>, transform_indices = @transform_2, window_bounds = array<i64: 1, 128>}, {transform_indices = @transform_3, window_bounds = array<i64: 1000, 128>}]} {
    %get3A = arith.constant 0 : index
    %get3A_0 = arith.constant 0 : index
    %get3A_1 = arith.constant 0 : index
    %get3A_2 = vector.load %arg1[%get3A, %get3A_0, %get3A_1] : memref<2x1000x128xf32, #tpu.memory_space<vmem>>, vector<1x1000x128xf32>
    %get3A_3 = vector.shape_cast %get3A_2 : vector<1x1000x128xf32> to vector<1000x128xf32>
    %get3A_4 = arith.constant 1 : index
    %get3A_5 = arith.constant 0 : index
    %get3A_6 = arith.constant 0 : index
    %get3A_7 = vector.load %arg1[%get3A_4, %get3A_5, %get3A_6] : memref<2x1000x128xf32, #tpu.memory_space<vmem>>, vector<1x1000x128xf32>
    %get3A_8 = vector.shape_cast %get3A_7 : vector<1x1000x128xf32> to vector<1000x128xf32>
    %add3A = arith.addf %get3A_3, %get3A_8 : vector<1000x128xf32>
    %get3A_9 = arith.constant 0 : index
    %get3A_10 = arith.constant 0 : index
    %get3A_11 = vector.load %arg2[%get3A_9, %get3A_10] : memref<128x128xf32, #tpu.memory_space<vmem>>, vector<128x128xf32>
    %dot_general3A = arith.constant dense<0.000000e+00> : vector<1000x128xf32>
    %dot_general3A_12 = tpu.matmul %add3A, %get3A_11, %dot_general3A {dimension_numbers = #tpu.dot_dimension_numbers<[1], [0], [0], [1], [0, 0, 1, 1], [], []>, transpose_lhs_hint = false} : vector<1000x128xf32>, vector<128x128xf32>, vector<1000x128xf32> -> vector<1000x128xf32>
    %get3A_13 = arith.constant 0 : index
    %get3A_14 = arith.constant 0 : index
    %get3A_15 = vector.load %arg3[%get3A_13, %get3A_14] : memref<1x128xf32, #tpu.memory_space<vmem>>, vector<1x128xf32>
    %add3A_16 = vector.broadcast %get3A_15 : vector<1x128xf32> to vector<1000x128xf32>
    %add3A_17 = arith.addf %dot_general3A_12, %add3A_16 : vector<1000x128xf32>
    %max3A = arith.constant 0.000000e+00 : f32
    %max3A_18 = vector.broadcast %max3A : f32 to vector<1000x128xf32>
    %max3A_19 = arith.maximumf %add3A_17, %max3A_18 : vector<1000x128xf32>
    %swap3A = arith.constant 0 : index
    %swap3A_20 = arith.constant 0 : index
    %swap3A_21 = vector.load %arg4[%swap3A, %swap3A_20] : memref<1000x128xf32, #tpu.memory_space<vmem>>, vector<1000x128xf32>
    tpu.vector_store %arg4[%swap3A, %swap3A_20], %max3A_19 {strides = array<i32>} : memref<1000x128xf32, #tpu.memory_space<vmem>>, vector<1000x128xf32>,
    return
  }
  func.func @transform_0(%arg0: i32) -> (i32, i32, i32) {
    %c0_i32 = arith.constant 0 : i32
    %c0_i32_0 = arith.constant 0 : i32
    %c0_i32_1 = arith.constant 0 : i32
    return %c0_i32, %arg0, %c0_i32_0 : i32, i32, i32
  }
  func.func @transform_1(%arg0: i32) -> (i32, i32) {
    %c0_i32 = arith.constant 0 : i32
    %c0_i32_0 = arith.constant 0 : i32
    %c0_i32_1 = arith.constant 0 : i32
    return %c0_i32, %c0_i32_0 : i32, i32
  }
  func.func @transform_2(%arg0: i32) -> (i32, i32) {
    %c0_i32 = arith.constant 0 : i32
    %c0_i32_0 = arith.constant 0 : i32
    %c0_i32_1 = arith.constant 0 : i32
    return %c0_i32, %c0_i32_0 : i32, i32
  }
  func.func @transform_3(%arg0: i32) -> (i32, i32) {
    %c0_i32 = arith.constant 0 : i32
    %c0_i32_0 = arith.constant 0 : i32
    return %arg0, %c0_i32 : i32, i32
  }
}

</mosaic_0001>

<sc_bundles>
// kernel: kernel.4.cloned.1.call-start
scs
__scs_entry_jumppad:
0x0: {  	(pc) =	sbr.rel $0x88, $3  }
0x1: {  	(tag) =	ssettag $0x0;
	lr =	simm.s32 $0x1  }
0x2: {  	[smem:$0x3F9D] =	sst lr;
	_ =	strace $0xD0000000  }
0x3: {  	_ = 	snop  }
0x4: {  	_ = 	snop  }
0x5: {  	_ = 	snop  }
0x6: {  	_ = 	snop  }
0x7: {  	_ = 	snop  }
__scs_overlays_trampoline_lowered:
0x8: {  	[smem:$0x3FAC] =	sst s0  }
0x9: {  	[smem:$0x3FAD] =	sst s1  }
0xa: {  	[smem:$0x3FAE] =	sst s2  }
0xb: {  	[smem:$0x3FAF] =	sst s3  }
0xc: {  	[smem:$0x3FB0] =	sst s4  }
0xd: {  	[smem:$0x3FB1] =	sst s5  }
0xe: {  	[smem:$0x3FB2] =	sst s6  }
0xf: {  	[smem:$0x3FB3] =	sst s7  }
0x10: {  	[smem:$0x3FB4] =	sst s8  }
0x11: {  	[smem:$0x3FB5] =	sst s9;
	s0 =	simm.s32 @!p0 $0x0  }
0x12: {  	s1 =	sld [smem:$0x3F9B];
	s0 =	simm.s32 @p0 $0x1  }
0x13: {  	[smem:$0x3FB6] =	sst s0;
	s0 =	simm.s32 @!p1 $0x0  }
0x14: {  	s2 =	sld [smem:$0x3F9A];
	s0 =	simm.s32 @p1 $0x1  }
0x15: {  	[smem:$0x3FB7] =	sst s0;
	s0 =	simm.s32 @!p2 $0x0  }
0x16: {  	s3 =	sld [smem:$0x3FDB];
	s0 =	simm.s32 @p2 $0x1  }
0x17: {  	s4 =	simm.s32 $0x1BF5;
	[smem:$0x3FB9] =	sst s0  }
0x18: {  	s0 =	sld [smem:$0x3F9C];
	_ =	swait.ge [sflag:s4], $0x0  }
0x19: {  	s7 =	sld [smem:$0x3F9D]  }
0x1a: {  	s8 =	sadd.s32 $0xFFFFE003, lr  }
0x1b: {  	s9 =	sadd.s32 $0xFFFFFEF7, lr;
	s5 =	simm.s32 $0xFFFFFFFF;
	p2 =	slt.u32 s8, $0xFFFFF086  }
0x1c: {  	p1 =	slt.u32 s9, $0xF7A;
	s5 =	simm.s32 @!p2 $0x0  }
0x1d: {  	s5 =	simm.s32 @p1 $0x1;
	p0 =	seq.s32 s7, s2  }
0x1e: {  	s7 =	smul.u32 @!p0 $0xF7A, s2;
	p2 =	seq.s32 @!p0 s5, $0x0  }
0x1f: {  	s9 =	smul.u32 $0xF7A, s1;
	s8 =	simm.s32 @!p0 $0x1BF5;
	p2 =	por !p2, p0  }
0x20: {  	[sflag:s8] =	ssyncset.s32 @!p0 $0xFFFFF086;
	s6 =	sadd.s32 @!p0 s3, s7;
	s7 =	simm.s32 @!p0 $0x108  }
0x21: {  	s3 =	sadd.s32 s3, s9;
	s6 =	sadd.s32 @!p0 $0x88, s6;
	s7 =	simm.s32 @p2 $0x1082  }
0x22: {  	[simem:s7], [sflag:s8] =	dma.local @!p0 [hbm:s6], $0xF7A  }
0x23: {  	s9 =	sor.u32 $0xD0000000, s2;
	s6 =	simm.s32 $0x108;
	_ =	swait.ge @!p0 [sflag:s8], $0x0  }
0x24: {  	s3 =	sadd.s32 $0x88, s3;
	s6 =	simm.s32 @!p1 $0x1082;
	[sflag:s4] =	ssyncset.s32 $0xFFFFF086  }
0x25: {  	[simem:s6], [sflag:s4] =	dma.local [hbm:s3], $0xF7A  }
0x26: {  	[smem:$0x3F9D] =	sst s1;
	(tag) =	ssettag s2;
	_ =	strace s9  }
0x27: {  	s1 =	sld [smem:$0x3FAD]  }
0x28: {  	s2 =	sld [smem:$0x3FAE]  }
0x29: {  	s4 =	sld [smem:$0x3FB0]  }
0x2a: {  	p0 =	seq.s32 s5, $0x0;
	s5 =	sld [smem:$0x3FB1]  }
0x2b: {  	s6 =	sld [smem:$0x3FB2]  }
0x2c: {  	s7 =	sld [smem:$0x3FB3]  }
0x2d: {  	s3 =	simm.s32 $0x108;
	s8 =	sld [smem:$0x3FB4]  }
0x2e: {  	s3 =	simm.s32 @!p0 $0x1082;
	s9 =	sld [smem:$0x3FB5]  }
0x2f: {  	lr =	sadd.s32 s0, s3;
	s0 =	sld [smem:$0x3FAC]  }
0x30: {  	s3 =	sld [smem:$0x3FAF]  }
0x31: {  	[smem:$0x3FB8] =	sst s10  }
0x32: {  	s10 =	sld [smem:$0x3FB6];
	_ =	sdelay $0x3  }
0x33: {  	p0 =	seq.s32 s10, $0x1;
	s10 =	sld [smem:$0x3FB8];
	_ =	sdelay $0x3  }
0x34: {  	[smem:$0x3FB8] =	sst s10  }
0x35: {  	s10 =	sld [smem:$0x3FB7];
	_ =	sdelay $0x3  }
0x36: {  	p1 =	seq.s32 s10, $0x1;
	s10 =	sld [smem:$0x3FB8];
	_ =	sdelay $0x3  }
0x37: {  	[smem:$0x3FB8] =	sst s10  }
0x38: {  	s10 =	sld [smem:$0x3FB9]  }
0x39: {  	_ = 	snop;
	(pc) =	sbr.ind lr, $3  }
0x3a: {  	_ = 	snop  }
0x3b: {  	_ = 	snop  }
0x3c: {  	p2 =	seq.s32 s10, $0x1;
	s10 =	sld [smem:$0x3FB8]  }
0x3d: {  	_ =	shalt  }
0x3e: {  	_ =	shalt  }
0x3f: {  	_ =	shalt  }
0x40: {  	_ =	shalt  }
0x41: {  	_ =	shalt  }
0x42: {  	_ =	shalt  }
0x43: {  	_ =	shalt  }
0x44: {  	_ =	shalt  }
0x45: {  	_ =	shalt  }
0x46: {  	_ =	shalt  }
0x47: {  	_ =	shalt  }
0x48: {  	_ =	shalt  }
0x49: {  	_ =	shalt  }
0x4a: {  	_ =	shalt  }
0x4b: {  	_ =	shalt  }
0x4c: {  	_ =	shalt  }
0x4d: {  	_ =	shalt  }
0x4e: {  	_ =	shalt  }
0x4f: {  	_ =	shalt  }
0x50: {  	_ =	shalt  }
0x51: {  	_ =	shalt  }
0x52: {  	_ =	shalt  }
0x53: {  	_ =	shalt  }
0x54: {  	_ =	shalt  }
0x55: {  	_ =	shalt  }
0x56: {  	_ =	shalt  }
0x57: {  	_ =	shalt  }
0x58: {  	_ =	shalt  }
0x59: {  	_ =	shalt  }
0x5a: {  	_ =	shalt  }
0x5b: {  	_ =	shalt  }
0x5c: {  	_ =	shalt  }
0x5d: {  	_ =	shalt  }
0x5e: {  	_ =	shalt  }
0x5f: {  	_ =	shalt  }
0x60: {  	_ =	shalt  }
0x61: {  	_ =	shalt  }
0x62: {  	_ =	shalt  }
0x63: {  	_ =	shalt  }
0x64: {  	_ =	shalt  }
0x65: {  	_ =	shalt  }
0x66: {  	_ =	shalt  }
0x67: {  	_ =	shalt  }
0x68: {  	_ =	shalt  }
0x69: {  	_ =	shalt  }
0x6a: {  	_ =	shalt  }
0x6b: {  	_ =	shalt  }
0x6c: {  	_ =	shalt  }
0x6d: {  	_ =	shalt  }
0x6e: {  	_ =	shalt  }
0x6f: {  	_ =	shalt  }
0x70: {  	_ =	shalt  }
0x71: {  	_ =	shalt  }
0x72: {  	_ =	shalt  }
0x73: {  	_ =	shalt  }
0x74: {  	_ =	shalt  }
0x75: {  	_ =	shalt  }
0x76: {  	_ =	shalt  }
0x77: {  	_ =	shalt  }
0x78: {  	_ =	shalt  }
0x79: {  	_ =	shalt  }
0x7a: {  	_ =	shalt  }
0x7b: {  	_ =	shalt  }
0x7c: {  	_ =	shalt  }
0x7d: {  	_ =	shalt  }
0x7e: {  	_ =	shalt  }
0x7f: {  	_ =	shalt  }
0x80: {  	_ =	shalt  }
0x81: {  	_ =	shalt  }
0x82: {  	_ =	shalt  }
0x83: {  	_ =	shalt  }
0x84: {  	_ =	shalt  }
0x85: {  	_ =	shalt  }
0x86: {  	_ =	shalt  }
0x87: {  	_ =	shalt  }
.Lfunc_end0:
.L_simem_size_0:
called_computation_lowered:
.L_overlay_start_0:
0x88: {  	s2 =	sld [smem:$0x3FD9]  }
0x89: {  	s3 =	sld [smem:$0x3FFE];
	_ =	sdelay $0x1  }
0x8a: {  	s1 =	srdreg.scid  }
0x8b: {  	s0 =	sand.u32 $0x1, s1  }
0x8c: {  	s17 =	sshll.u32 s0, $0xA;
	s2 =	sadd.s32 s3, s2  }
0x8d: {  	s2 =	sadd.s32 s2, s17  }
0x8e: {  	[smem:$0x3FC4] =	sst s2  }
0x8f: {  	_ = 	snop  }
0x90: {  	s2 =	sld [smem:$0x3FC8]  }
0x91: {  	s18 =	sld [smem:$0x3FD0];
	(tm) =	ssettm $0x1  }
0x92: {  	s4 =	sld [smem:$0x3FFB];
	_ =	sdelay $0x3  }
0x93: {  	_ =	strace s4  }
0x94: {  	s4 =	sld [smem:$0x3FFC];
	_ =	sdelay $0x3  }
0x95: {  	_ =	strace s4  }
0x96: {  	s4 =	sld [smem:$0x3FFD];
	_ =	sdelay $0x3  }
0x97: {  	_ =	strace s4  }
0x98: {  	_ =	strace $0x8FFFFFFF  }
0x99: {  	s19 =	sld [smem:$0x3FDB];
	_ =	sdelay $0x1  }
0x9a: {  	s5 =	simm.s32 $_scs_section_size  }
0x9b: {  	s6 =	simm.s32 $_size__tile_overlayer_lowered;
	s7 =	simm.s32 $_tile_overlayer_lowered  }
0x9c: {  	s22 =	simm.s32 $0x1BFF;
	s21 =	sshll.u32 s7, $0x1;
	s4 =	sadd.s32 s5, s19  }
0x9d: {  	s8 =	simm.s32 $0x0;
	s20 =	sshll.u32 s6, $0x1;
	s6 =	sadd.s32 s21, s4  }
0x9e: {  	[timem:s8], [sflag:s22] =	dma.local [hbm:s6], s20  }
0x9f: {  	_ =	swait.ge [sflag:s22], s20  }
0xa0: {  	s5 =	ssub.s32 $0x0, s20;
	[sflag:s22] =	ssyncset.done $0x0  }
0xa1: {  	[sflag:s22] =	ssyncadd.s32 s5;
	_ =	sdelay $0x1  }
0xa2: {  	s23 =	simm.s32 $0x1B8B  }
0xa3: {  	_ =	swait.ge [sflag:s23], $0x1  }
0xa4: {  	[sflag:s23] =	ssyncset.done $0x0  }
0xa5: {  	s25 =	simm.s32 $0x1B8E;
	s24 =	sld [smem:$0x3FFE];
	[sflag:s23] =	ssyncadd.s32 $0xFFFFFFFF  }
0xa6: {  	s26 =	simm.s32 $execute0_lowered;
	[smem:$0x3FD2] =	sst s25  }
0xa7: {  	s6 =	sshll.u32 s26, $0x1;
	_ =	strace $0x80000046;
	[dreg:$0x1] =	wrdreg $0xFFFFFFFF  }
0xa8: {  	s28 =	simm.s32 $_size_execute0_lowered;
	s4 =	sadd.s32 s4, s6;
	[dreg:$0x0] =	wrdreg $0x0  }
0xa9: {  	s6 =	sshll.u32 s28, $0x1;
	[dreg:$0x2] =	wrdreg s4  }
0xaa: {  	[dreg:$0x3] =	wrdreg s6  }
0xab: {  	[dreg:$0x4] =	wrdreg $0xC0  }
0xac: {  	_ =	task [dreg:s8], $0x5FFFF  }
0xad: {  	[dreg:$0x1] =	wrdreg $0xFFFFFFFF  }
0xae: {  	[dreg:$0x0] =	wrdreg $0x60  }
0xaf: {  	[dreg:$0x2] =	wrdreg s24  }
0xb0: {  	[dreg:$0x3] =	wrdreg s18  }
0xb1: {  	[dreg:$0x4] =	wrdreg s2  }
0xb2: {  	[dreg:$0x5] =	wrdreg $0xB7800  }
0xb3: {  	[dreg:$0x6] =	wrdreg $0x9  }
0xb4: {  	_ =	task.clear_ibuf [dreg:s8], $0x7FFFF;
	_ =	strace $0x90000046  }
0xb5: {  	s29 =	simm.s32 $0x9;
	_ =	strace $0x80000048  }
0xb6: {  	_ =	swait.ge [sflag:s29], $0x1  }
0xb7: {  	[sflag:s29] =	ssyncadd.s32 $0xFFFFFFFF  }
0xb8: {  	_ =	strace $0x90000048  }
0xb9: {  	_ =	sfence  }
0xba: {  	s30 =	sld [smem:$0x0];
	_ =	sdelay $0x2  }
0xbb: {  	s31 =	sshll.u32 s1, $0xD;
	s1 =	sshrl.u32 s1, $0x2  }
0xbc: {  	s3 =	sand.u32 $0x4000, s31;
	s1 =	sadd.s32 s1, s30  }
0xbd: {  	s0 =	sor.u32 s3, s0;
	s1 =	sshll.u32 s1, $0x11  }
0xbe: {  	s0 =	sor.u32 s1, s0  }
0xbf: {  	s0 =	sadd.s32 $0x8F2B, s0  }
0xc0: {  	[sflag:s0] =	ssyncadd.remote.s32 $0x1  }
0xc1: {  	_ =	sfence.sel $0xFFFF  }
0xc2: {  	[dreg:$0x0] =	wrdreg $0xFFFFFFFF;
	(pc) =	sbr.abs _section_cstart, $3  }
0xc3: {  	[dreg:$0x1] =	wrdreg $0xFFFFFFFF  }
0xc4: {  	_ =	task.clear_ibuf [dreg:s8], $0x2FFFF;
	_ =	strace $0x9FFFFFFF  }
0xc5: {  	(tm) =	ssettm $0x7FFFFFFF  }
tec
execute0_lowered:
.L_overlay_start_1:
0x0: {  	(tag) =	ssettag $0x1  }
0x1: {  	s1 =	rddreg [dreg:$0x0]  }
0x2: {  	s0 =	srdreg.scid;
	s6 =	rddreg [dreg:$0x1]  }
0x3: {  	s11 =	stileid.u32;
	s2 =	rddreg [dreg:$0x2];
	s19 =	simm.s32 $0x3  }
0x4: {  	s21 =	simm.s32 $0x6780;
	s22 =	simm.s32 $0x28;
	s23 =	simm.s32 $0x7B80  }
0x5: {  	s28 =	simm.s32 $0xA380;
	s29 =	simm.s32 $0x1;
	s30 =	simm.s32 $0x2  }
0x6: {  	s17 =	simm.s32 $0x6500;
	s18 =	simm.s32 $0x6580;
	s10 =	smul.u32 $0x14000, s11  }
0x7: {  	s20 =	simm.s32 $0x0;
	s0 =	sand.u32 $0x1, s0;
	s26 =	smul.u32 $0x50000, s11  }
0x8: {  	s8 =	sshll.u32 s11, $0x7;
	s3 =	sshll.u32 s0, $0x4;
	s9 =	smul.u32 $0x140000, s0  }
0x9: {  	s8 =	sand.u32 $0x380, s8;
	s0 =	ssub.s32 $0x2, s0;
	s7 =	sor.u32 s11, s3  }
0xa: {  	s3 =	rddreg [dreg:$0x3];
	s25 =	sshrl.u32 s0, $0x1;
	s31 =	sshrl.u32 s26, $0x2  }
0xb: {  	s4 =	sshrl.u32 s7, $0x3;
	s24 =	sadd.s32 s10, s9;
	s0 =	ssub.s32 s0, s25  }
0xc: {  	s7 =	sshll.u32 s7, $0xB;
	s5 =	smul.u32 $0x13C00, s4;
	s4 =	simm.s32 $0x0  }
0xd: {  	s25 =	simm.s32 $0x8F80;
	s6 =	sadd.s32 s6, s7;
	[smem:$0x7FF] =	sst s4  }
0xe: {  	s9 =	smax.u32 s0, $0x1;
	_ =	strace $0x80000047;
	s5 =	sor.u32 s8, s5  }
0xf: {  	s8 =	sshrl.u32 s24, $0x3;
	s24 =	simm.s32 $0x50;
	s5 =	sshrl.u32 s5, $0x3  }
0x10: {  	s5 =	sadd.s32 s5, s1;
	s1 =	sadd.s32 s8, s1;
	s8 =	sadd.s32 s31, s3  }
0x11: {  	s5 =	sadd.s32 $0x200, s5;
	s7 =	sadd.s32 $0xA000, s1;
	s10 =	sadd.s32 $0x2800, s8  }
0x12: {  	s11 =	sadd.s32 $0x5000, s8;
	s12 =	sadd.s32 $0x7800, s8;
	s13 =	sadd.s32 $0xA000, s8  }
0x13: {  	v0 =	vimm.f32 $0.0e+00;
	s14 =	sadd.s32 $0xC800, s8;
	s15 =	sadd.s32 $0xF000, s8;
	s16 =	sadd.s32 $0x11800, s8  }
.LBB2_1:
0x14: {  	s0 =	simm.s32 $0x80;
	s1 =	simm.s32 $0x400  }
0x15: {  	[tilespmem:s4], [sflag:$0x3] =	stream.strided.gather [hbm4b:s5+s0], $0x2780, s1, s0, $0x38;
	[tilespmem:$0x1F780] =	vst v63  }
0x16: {  	_ =	swait.ge [sflag:s19], $0x2780  }
0x17: {  	[sflag:s19] =	ssyncset.done $0x0  }
0x18: {  	s26 =	simm.s32 $0x2780;
	[sflag:s19] =	ssyncadd.s32 $0xFFFFD880  }
0x19: {  	[tilespmem:s26], [sflag:$0x3] =	stream.linear.gather [hbm4b:s6+s4], $0x3E80, $0x38;
	[tilespmem:$0x1F780] =	vst v63  }
0x1a: {  	_ =	swait.ge [sflag:s19], $0x3E80  }
0x1b: {  	[sflag:s19] =	ssyncset.done $0x0  }
0x1c: {  	s31 =	simm.s32 $0x200;
	s26 =	simm.s32 $0x0;
	[sflag:s19] =	ssyncadd.s32 $0xFFFFC180  }
.LBB2_2:
0x1d: {  	p0 =	sne.s32 s31, $0x9E00;
	[tilespmem:s26+$0x67F0] =	vst v0  }
0x1e: {  	[tilespmem:s26+$0x6780] =	vst v0  }
0x1f: {  	[tilespmem:s26+$0x6790] =	vst v0  }
.Ltmp0:
0x20: {  	[tilespmem:s26+$0x67A0] =	vst v0;
	(pc) =	sbr.rel @p0 .LBB2_2-.Ltmp0, $4  }
0x21: {  	[tilespmem:s26+$0x67B0] =	vst v0  }
0x22: {  	[tilespmem:s26+$0x67C0] =	vst v0  }
0x23: {  	[tilespmem:s26+$0x67D0] =	vst v0  }
0x24: {  	[tilespmem:s26+$0x67E0] =	vst v0;
	s26 =	sshra.s32 s31, $0x2;
	s31 =	sadd.s32 $0x200, s31  }
0x25: {  	[tilespmem:s26+$0x67F0] =	vst v0  }
0x26: {  	[tilespmem:s26+$0x6780] =	vst v0  }
0x27: {  	[tilespmem:s26+$0x6790] =	vst v0  }
0x28: {  	[tilespmem:s26+$0x67A0] =	vst v0  }
0x29: {  	[tilespmem:s26+$0x67B0] =	vst v0  }
0x2a: {  	[tilespmem:s26+$0x67C0] =	vst v0  }
0x2b: {  	[tilespmem:s26+$0x67D0] =	vst v0  }
0x2c: {  	[tilespmem:s26+$0x67E0] =	vst v0  }
0x2d: {  	[spmem:s8] =	stream.linear.scatter [tilespmem:s21], [sflag:$0x3], $0x2800, $0x38;
	[tilespmem:$0x1F780] =	vst v63  }
0x2e: {  	_ =	swait.ge [sflag:s19], $0x2800  }
0x2f: {  	[sflag:s19] =	ssyncset.done $0x0  }
0x30: {  	[sflag:s19] =	ssyncadd.s32 $0xFFFFD800  }
0x31: {  	[spmem:s10] =	stream.linear.scatter [tilespmem:s21], [sflag:$0x3], $0x2800, $0x38;
	[tilespmem:$0x1F780] =	vst v63  }
0x32: {  	_ =	swait.ge [sflag:s19], $0x2800  }
0x33: {  	[sflag:s19] =	ssyncset.done $0x0  }
0x34: {  	[sflag:s19] =	ssyncadd.s32 $0xFFFFD800  }
0x35: {  	[spmem:s11] =	stream.linear.scatter [tilespmem:s21], [sflag:$0x3], $0x2800, $0x38;
	[tilespmem:$0x1F780] =	vst v63  }
0x36: {  	_ =	swait.ge [sflag:s19], $0x2800  }
0x37: {  	[sflag:s19] =	ssyncset.done $0x0  }
0x38: {  	[sflag:s19] =	ssyncadd.s32 $0xFFFFD800  }
0x39: {  	[spmem:s12] =	stream.linear.scatter [tilespmem:s21], [sflag:$0x3], $0x2800, $0x38;
	[tilespmem:$0x1F780] =	vst v63  }
0x3a: {  	_ =	swait.ge [sflag:s19], $0x2800  }
0x3b: {  	[sflag:s19] =	ssyncset.done $0x0  }
0x3c: {  	[sflag:s19] =	ssyncadd.s32 $0xFFFFD800  }
0x3d: {  	[spmem:s13] =	stream.linear.scatter [tilespmem:s21], [sflag:$0x3], $0x2800, $0x38;
	[tilespmem:$0x1F780] =	vst v63  }
0x3e: {  	_ =	swait.ge [sflag:s19], $0x2800  }
0x3f: {  	[sflag:s19] =	ssyncset.done $0x0  }
0x40: {  	[sflag:s19] =	ssyncadd.s32 $0xFFFFD800  }
0x41: {  	[spmem:s14] =	stream.linear.scatter [tilespmem:s21], [sflag:$0x3], $0x2800, $0x38;
	[tilespmem:$0x1F780] =	vst v63  }
0x42: {  	_ =	swait.ge [sflag:s19], $0x2800  }
0x43: {  	[sflag:s19] =	ssyncset.done $0x0  }
0x44: {  	[sflag:s19] =	ssyncadd.s32 $0xFFFFD800  }
0x45: {  	[spmem:s15] =	stream.linear.scatter [tilespmem:s21], [sflag:$0x3], $0x2800, $0x38;
	[tilespmem:$0x1F780] =	vst v63  }
0x46: {  	_ =	swait.ge [sflag:s19], $0x2800  }
0x47: {  	[sflag:s19] =	ssyncset.done $0x0  }
0x48: {  	[sflag:s19] =	ssyncadd.s32 $0xFFFFD800  }
0x49: {  	[spmem:s16] =	stream.linear.scatter [tilespmem:s21], [sflag:$0x3], $0x2800, $0x38;
	[tilespmem:$0x1F780] =	vst v63  }
0x4a: {  	_ =	swait.ge [sflag:s19], $0x2800  }
0x4b: {  	[sflag:s19] =	ssyncset.done $0x0  }
0x4c: {  	[sflag:s19] =	ssyncadd.s32 $0xFFFFD800  }
0x4d: {  	s1 =	simm.s32 $0x0;
	[bflag:$0x0] =	sbarrier.arrive $0xFFFF  }
0x4e: {  	[tilespmem:s21], [sflag:$0x1] =	stream.indirect.gather [hbm4b:s2+s22], $0x80, s1, s22, $0xb8;
	[tilespmem:$0x1F780] =	vst v63  }
0x4f: {  	_ = 	snop  }
0x50: {  	[tilespmem:s23], [sflag:$0x1] =	stream.indirect.gather [hbm4b:s2+s22], $0x80, s22, s22, $0xb8;
	[tilespmem:$0x1F780] =	vst v63  }
0x51: {  	_ = 	snop  }
0x52: {  	[tilespmem:s25], [sflag:$0x2] =	stream.indirect.gather [hbm4b:s2+s22], $0x80, s24, s22, $0xb8;
	[tilespmem:$0x1F780] =	vst v63  }
0x53: {  	s0 =	simm.s32 $0x78  }
0x54: {  	[tilespmem:s28], [sflag:$0x2] =	stream.indirect.gather [hbm4b:s2+s22], $0x80, s0, s22, $0xb8;
	[tilespmem:$0x1F780] =	vst v63  }
0x55: {  	_ =	swait.ge [sflag:s29], $0x2800  }
0x56: {  	[sflag:s29] =	ssyncset.done $0x0  }
0x57: {  	s26 =	simm.s32 $0x2780;
	[sflag:s29] =	ssyncadd.s32 $0xFFFFD800  }
0x58: {  	[spmem:s3] =	stream.indirect.scatter.add.f32 [tilespmem:s21], [sflag:$0x3], $0x80, s26, s24, $0xb8;
	[tilespmem:$0x1F780] =	vst v63  }
0x59: {  	_ =	swait.ge [sflag:s19], $0x2800  }
0x5a: {  	[sflag:s19] =	ssyncset.done $0x0  }
0x5b: {  	s0 =	simm.s32 $0xA0;
	[sflag:s19] =	ssyncadd.s32 $0xFFFFD800  }
0x5c: {  	[tilespmem:s21], [sflag:$0x1] =	stream.indirect.gather [hbm4b:s2+s22], $0x80, s0, s22, $0xb8;
	[tilespmem:$0x1F780] =	vst v63  }
0x5d: {  	s26 =	simm.s32 $0xC8  }
0x5e: {  	[tilespmem:s23], [sflag:$0x1] =	stream.indirect.gather [hbm4b:s2+s22], $0x80, s26, s22, $0xb8;
	[tilespmem:$0x1F780] =	vst v63  }
0x5f: {  	_ =	swait.ge [sflag:s30], $0x2800  }
0x60: {  	[sflag:s30] =	ssyncset.done $0x0  }
0x61: {  	s0 =	simm.s32 $0x2800;
	[sflag:s30] =	ssyncadd.s32 $0xFFFFD800  }
0x62: {  	[spmem:s3] =	stream.indirect.scatter.add.f32 [tilespmem:s25], [sflag:$0x3], $0x80, s0, s24, $0xb8;
	[tilespmem:$0x1F780] =	vst v63  }
0x63: {  	_ =	swait.ge [sflag:s19], $0x2800  }
0x64: {  	[sflag:s19] =	ssyncset.done $0x0  }
0x65: {  	s26 =	simm.s32 $0xF0;
	[sflag:s19] =	ssyncadd.s32 $0xFFFFD800  }
0x66: {  	[tilespmem:s25], [sflag:$0x2] =	stream.indirect.gather [hbm4b:s2+s22], $0x80, s26, s22, $0xb8;
	[tilespmem:$0x1F780] =	vst v63  }
0x67: {  	s31 =	simm.s32 $0x2900;
	s1 =	simm.s32 $0x118;
	s26 =	simm.s32 $0x280  }
.LBB2_4:
0x68: {  	[tilespmem:s28], [sflag:$0x2] =	stream.indirect.gather [hbm4b:s2+s22], $0x80, s1, s22, $0xb8;
	[tilespmem:$0x1F780] =	vst v63  }
0x69: {  	s1 =	smov.u32 s26  }
0x6a: {  	p0 =	sne.s32 s26, $0x9600;
	s26 =	sadd.s32 $0x280, s26;
	_ =	swait.ge [sflag:s29], $0x2800  }
0x6b: {  	[sflag:s29] =	ssyncset.done $0x0  }
0x6c: {  	s0 =	sadd.s32 $0xFFFFFF80, s31;
	[sflag:s29] =	ssyncadd.s32 $0xFFFFD800  }
0x6d: {  	[spmem:s3] =	stream.indirect.scatter.add.f32 [tilespmem:s21], [sflag:$0x3], $0x80, s0, s24, $0xb8;
	[tilespmem:$0x1F780] =	vst v63  }
0x6e: {  	_ =	swait.ge [sflag:s19], $0x2800  }
0x6f: {  	s0 =	sshra.s32 s1, $0x2;
	[sflag:s19] =	ssyncset.done $0x0  }
0x70: {  	s1 =	sadd.s32 $0xA0, s0;
	[sflag:s19] =	ssyncadd.s32 $0xFFFFD800  }
0x71: {  	[tilespmem:s21], [sflag:$0x1] =	stream.indirect.gather [hbm4b:s2+s22], $0x80, s1, s22, $0xb8;
	[tilespmem:$0x1F780] =	vst v63  }
0x72: {  	s1 =	sadd.s32 $0xC8, s0  }
0x73: {  	[tilespmem:s23], [sflag:$0x1] =	stream.indirect.gather [hbm4b:s2+s22], $0x80, s1, s22, $0xb8;
	[tilespmem:$0x1F780] =	vst v63  }
0x74: {  	_ =	swait.ge [sflag:s30], $0x2800  }
0x75: {  	[sflag:s30] =	ssyncset.done $0x0  }
0x76: {  	[sflag:s30] =	ssyncadd.s32 $0xFFFFD800  }
0x77: {  	[spmem:s3] =	stream.indirect.scatter.add.f32 [tilespmem:s25], [sflag:$0x3], $0x80, s31, s24, $0xb8;
	[tilespmem:$0x1F780] =	vst v63  }
.Ltmp1:
0x78: {  	_ =	swait.ge [sflag:s19], $0x2800;
	(pc) =	sbr.rel @p0 .LBB2_4-.Ltmp1, $4  }
0x79: {  	[sflag:s19] =	ssyncset.done $0x0  }
0x7a: {  	s1 =	sadd.s32 $0xF0, s0;
	[sflag:s19] =	ssyncadd.s32 $0xFFFFD800  }
0x7b: {  	[tilespmem:s25], [sflag:$0x2] =	stream.indirect.gather [hbm4b:s2+s22], $0x80, s1, s22, $0xb8;
	[tilespmem:$0x1F780] =	vst v63  }
0x7c: {  	s31 =	sadd.s32 $0x100, s31;
	s1 =	sadd.s32 $0x118, s0  }
0x7d: {  	[tilespmem:s28], [sflag:$0x2] =	stream.indirect.gather [hbm4b:s2+s22], $0x80, s1, s22, $0xb8;
	[tilespmem:$0x1F780] =	vst v63  }
0x7e: {  	_ =	swait.ge [sflag:s29], $0x2800  }
0x7f: {  	[sflag:s29] =	ssyncset.done $0x0  }
0x80: {  	s0 =	simm.s32 $0x6480;
	[sflag:s29] =	ssyncadd.s32 $0xFFFFD800  }
0x81: {  	[spmem:s3] =	stream.indirect.scatter.add.f32 [tilespmem:s21], [sflag:$0x3], $0x80, s0, s24, $0xb8;
	[tilespmem:$0x1F780] =	vst v63  }
0x82: {  	_ =	swait.ge [sflag:s19], $0x2800  }
0x83: {  	[sflag:s19] =	ssyncset.done $0x0  }
0x84: {  	s31 =	simm.s32 $0x26C0;
	[sflag:s19] =	ssyncadd.s32 $0xFFFFD800  }
0x85: {  	[tilespmem:s21], [sflag:$0x1] =	stream.indirect.gather [hbm4b:s2+s22], $0x80, s31, s22, $0xb8;
	[tilespmem:$0x1F780] =	vst v63  }
0x86: {  	s1 =	simm.s32 $0x26E8  }
0x87: {  	[tilespmem:s23], [sflag:$0x1] =	stream.indirect.gather [hbm4b:s2+s22], $0x80, s1, s22, $0xb8;
	[tilespmem:$0x1F780] =	vst v63  }
0x88: {  	_ =	swait.ge [sflag:s30], $0x2800  }
0x89: {  	[sflag:s30] =	ssyncset.done $0x0  }
0x8a: {  	[sflag:s30] =	ssyncadd.s32 $0xFFFFD800  }
0x8b: {  	[spmem:s3] =	stream.indirect.scatter.add.f32 [tilespmem:s25], [sflag:$0x3], $0x80, s17, s24, $0xb8;
	[tilespmem:$0x1F780] =	vst v63  }
0x8c: {  	_ =	swait.ge [sflag:s19], $0x2800  }
0x8d: {  	[sflag:s19] =	ssyncset.done $0x0  }
0x8e: {  	[sflag:s19] =	ssyncadd.s32 $0xFFFFD800  }
0x8f: {  	_ =	swait.ge [sflag:s29], $0x2800  }
0x90: {  	[sflag:s29] =	ssyncset.done $0x0  }
0x91: {  	[sflag:s29] =	ssyncadd.s32 $0xFFFFD800  }
0x92: {  	[spmem:s3] =	stream.indirect.scatter.add.f32 [tilespmem:s21], [sflag:$0x3], $0x80, s18, s24, $0xb8;
	[tilespmem:$0x1F780] =	vst v63  }
0x93: {  	s26 =	stileid.u32;
	_ =	swait.ge [sflag:s19], $0x2800  }
0x94: {  	s20 =	sadd.s32 $0x1, s20;
	s0 =	sshll.u32 s26, $0x6;
	[sflag:s19] =	ssyncset.done $0x0  }
0x95: {  	p0 =	sne.s32 s20, s9;
	s0 =	sor.u32 $0x1C03, s0;
	[sflag:s19] =	ssyncadd.s32 $0xFFFFD800  }
.Ltmp2:
0x96: {  	s31 =	sshrl.u32 s8, $0x3;
	[bflag:$0x0] =	sbarrier.arrive $0xFFFF;
	(pc) =	sbr.rel @p0 .LBB2_1-.Ltmp2, $4  }
0x97: {  	[hbm:s7], [sflag:s0] =	dma.local [spmem:s31], $0x2800  }
0x98: {  	_ =	swait.ge [sflag:s19], $0x2800  }
0x99: {  	[sflag:s19] =	ssyncset.done $0x0  }
0x9a: {  	[sflag:s19] =	ssyncadd.s32 $0xFFFFD800  }
0x9b: {  	_ =	sfence.sel $0x180000  }
0x9c: {  	[bflag:$0x0] =	sbarrier.arrive $0xFFFF  }
0x9d: {  	_ =	strace $0x90000047  }
0x9e: {  	s0 =	stileid.u32;
	[bflag:$0x2] =	sbarrier.arrive $0xFFFF  }
0x9f: {  	p0 =	sne.s32 s0, $0x0;
	s0 =	rddreg [dreg:$0x4]  }
0xa0: {  	s0 =	sadd.s32 @!p0 $0x100000, s0  }
0xa1: {  	[sflag:s0] =	ssyncadd.tile.s32 @!p0 $0x1;
	_ =	shalt  }
.Lfunc_end2:
_tile_overlayer_lowered:
.L_overlay_start_2:
0xa2: {  	(tag) =	ssettag $0x2  }
0xa3: {  	s0 =	rddreg [dreg:$0x0];
	s2 =	stileid.u32  }
0xa4: {  	s1 =	rddreg [dreg:$0x1];
	p0 =	sne.s32 s2, $0x0  }
0xa5: {  	s3 =	rddreg [dreg:$0x2];
	[bflag:$0x3] =	sbarrier.arrive $0xFFFF;
	s2 =	simm.s32 @!p0 $0x1C03  }
0xa6: {  	[timem:s3], [sflag:s2] =	dma.local @!p0 [hbm:s0], s1  }
0xa7: {  	s0 =	simm.s32 @!p0 $0x3  }
0xa8: {  	_ =	swait.ge @!p0 [sflag:s0], s1  }
0xa9: {  	s1 =	ssub.s32 @!p0 $0x0, s1;
	[sflag:s0] =	ssyncset.done @!p0 $0x0  }
0xaa: {  	[sflag:s0] =	ssyncadd.s32 @!p0 s1  }
0xab: {  	[bflag:$0x3] =	sbarrier.arrive $0xFFFF  }
0xac: {  	_ =	shalt  }

</sc_bundles>
